<compile_context>
chip_gen: v7x
topology: tpu7x:2x2x1
jax: 0.10.2.dev20260603
libtpu: 0.0.44.dev20260713+nightly
codegen_flags: <defaults>
</compile_context>

<pallas_src>
import functools

import jax
import jax.numpy as jnp
from jax import lax
from jax.experimental import pallas as pl
from jax.experimental.pallas import tpu as pltpu
from jax.experimental.pallas import tpu_sc as plsc

N = 32768
B = 16
MAX_G = 8
NODE_DIM = 512
HIDDEN = 1024
NUM_DIR = 7
NSLOT = B * MAX_G

NSUB = 16
CHUNK = N // NSUB
VECS = CHUNK // 16
KCHK = 4
NBLK = VECS // KCHK
BSTEPS = 5
GROUPS_PER_CORE = 4
NEG = -1000000000.0


def _sc_body(keep_hbm, batch_hbm, node_hbm,
             selp1_hbm, rows_hbm,
             batch_v, keep_v, hist_v, allh_v, cnt_v, off_v, h16_v, pe_v,
             contrib_v, allc_v, sel128_v, sel16_v, idx_v, rows_v,
             sh_hist, sh_contrib, sem):
    c = lax.axis_index("c")
    s = lax.axis_index("s")
    base = s * CHUNK
    zeros16 = jnp.zeros((16,), jnp.int32)
    lane = lax.iota(jnp.int32, 16)

    cp_b = pltpu.async_copy(batch_hbm.at[pl.ds(base, CHUNK)], batch_v, sem)
    cp_k = pltpu.async_copy(keep_hbm.at[pl.ds(base, CHUNK)], keep_v, sem)
    cp_b.wait()
    cp_k.wait()

    def kvec(o):
        return keep_v[pl.ds(o, 16)]

    b_last = jnp.max(batch_v[pl.ds(CHUNK - 16, 16)])

    def blk_max(ib):
        return jnp.max(batch_v[pl.ds(((ib + 1) * KCHK - 1) * 16, 16)])

    def next_block(lo, bhi):
        def bstep(_, st):
            l, h = st
            mid = jnp.minimum((l + h) // 2, NBLK - 1)
            gt = blk_max(mid) > bhi
            return (jnp.where(gt, l, mid + 1), jnp.where(gt, mid, h))
        return lax.fori_loop(0, BSTEPS, bstep, (lo, NBLK))[0]

    hist_v[...] = zeros16

    def p1_cond(st):
        ib, done = st
        return jnp.logical_and(ib < NBLK, done == 0)

    def p1_body(st):
        ib, _ = st
        for k in range(KCHK):
            o = (ib * KCHK + k) * 16
            b16 = batch_v[pl.ds(o, 16)]
            plsc.addupdate_scatter(hist_v, [b16], kvec(o))
        bhi = blk_max(ib)
        satcur = jnp.min(jnp.where(lane == bhi, hist_v[...], 1000)) >= MAX_G
        at_end = bhi >= b_last
        done = jnp.logical_and(satcur, at_end)
        ib_next = jnp.where(jnp.logical_and(satcur, jnp.logical_not(at_end)),
                            next_block(ib + 1, bhi), ib + 1)
        return (ib_next, done.astype(jnp.int32))

    lax.while_loop(p1_cond, p1_body, (0, jnp.int32(0)))

    for j in range(NSLOT // 16):
        contrib_v[pl.ds(j * 16, 16)] = zeros16

    pltpu.sync_copy(hist_v, sh_hist.at[s])
    plsc.subcore_barrier()
    pltpu.sync_copy(sh_hist, allh_v)

    def off_step(w, acc):
        return acc + allh_v[w]

    off16 = lax.fori_loop(0, s, off_step, zeros16)
    off_v[...] = off16
    cnt_v[...] = off16

    def p2_cond(st):
        ib, done = st
        return jnp.logical_and(ib < NBLK, done == 0)

    def p2_body(st):
        ib, _ = st
        for k in range(KCHK):
            o = (ib * KCHK + k) * 16
            b16 = batch_v[pl.ds(o, 16)]
            k16 = kvec(o)
            h16_v[...] = zeros16
            plsc.addupdate_scatter(h16_v, [b16], k16)
            h16 = h16_v[...]
            pe_v[...] = plsc.cumsum(h16) - h16
            less_b = plsc.load_gather(pe_v, [b16])
            ck_excl = plsc.cumsum(k16) - k16
            basec = plsc.load_gather(cnt_v, [b16])
            g16 = basec + ck_excl - less_b
            valid = jnp.logical_and(k16 > 0, g16 < MAX_G)
            tgt = jnp.where(valid, b16 * MAX_G + g16, 0)
            rowid = base + o + lane + 1
            plsc.store_scatter(contrib_v, [tgt], rowid, mask=valid)
            cnt_v[...] = cnt_v[...] + h16
        bhi = blk_max(ib)
        dvec = jnp.logical_or(cnt_v[...] >= MAX_G,
                              cnt_v[...] - off_v[...] >= hist_v[...])
        dcur = jnp.min(jnp.where(lane == bhi, dvec.astype(jnp.int32), 1)) >= 1
        at_end = bhi >= b_last
        done = jnp.logical_and(dcur, at_end)
        ib_next = jnp.where(jnp.logical_and(dcur, jnp.logical_not(at_end)),
                            next_block(ib + 1, bhi), ib + 1)
        return (ib_next, done.astype(jnp.int32))

    lax.while_loop(p2_cond, p2_body, (0, jnp.int32(0)))

    pltpu.sync_copy(contrib_v, sh_contrib.at[s])
    plsc.subcore_barrier()

    @pl.when(s < GROUPS_PER_CORE)
    def _():
        grp = c * GROUPS_PER_CORE + s
        pltpu.sync_copy(sh_contrib, allc_v)
        for j in range(NSLOT // 16):
            def sum_step(w, acc):
                return acc + allc_v[w, pl.ds(j * 16, 16)]
            sel128_v[pl.ds(j * 16, 16)] = lax.fori_loop(
                0, NSUB, sum_step, zeros16)
        sel16 = sel128_v[pl.ds(grp * 16, 16)]
        idx_v[...] = jnp.maximum(sel16 - 1, 0)
        gat = pltpu.async_copy(node_hbm.at[idx_v], rows_v, sem)
        sel16_v[...] = sel16
        pltpu.sync_copy(sel16_v, selp1_hbm.at[pl.ds(grp * 16, 16)])
        gat.wait()
        pltpu.sync_copy(rows_v, rows_hbm.at[pl.ds(grp * 16, 16)])


@functools.partial(jax.jit, static_argnames=("interpret",))
def _sc_call(keep_i, batch_i, node_features, interpret=False):
    mesh = plsc.VectorSubcoreMesh(core_axis_name="c", subcore_axis_name="s",
                                  num_cores=2, num_subcores=NSUB)
    fn = pl.kernel(
        _sc_body,
        out_type=(
            jax.ShapeDtypeStruct((NSLOT,), jnp.int32),
            jax.ShapeDtypeStruct((NSLOT, NODE_DIM), jnp.float32),
        ),
        mesh=mesh,
        scratch_types=[
            pltpu.VMEM((CHUNK,), jnp.int32),
            pltpu.VMEM((CHUNK,), jnp.int32),
            pltpu.VMEM((16,), jnp.int32),
            pltpu.VMEM((NSUB, 16), jnp.int32),
            pltpu.VMEM((16,), jnp.int32),
            pltpu.VMEM((16,), jnp.int32),
            pltpu.VMEM((16,), jnp.int32),
            pltpu.VMEM((16,), jnp.int32),
            pltpu.VMEM((NSLOT,), jnp.int32),
            pltpu.VMEM((NSUB, NSLOT), jnp.int32),
            pltpu.VMEM((NSLOT,), jnp.int32),
            pltpu.VMEM((16,), jnp.int32),
            pltpu.VMEM((16,), jnp.int32),
            pltpu.VMEM((16, NODE_DIM), jnp.float32),
            pltpu.VMEM_SHARED((NSUB, 16), jnp.int32),
            pltpu.VMEM_SHARED((NSUB, NSLOT), jnp.int32),
            pltpu.SemaphoreType.DMA,
        ],
        compiler_params=pltpu.CompilerParams(needs_layout_passes=False),
        interpret=interpret,
    )
    return fn(keep_i, batch_i, node_features)


def _tca_body(glob_ref, w1b_ref, out_ref):
    out_ref[...] = jnp.dot(glob_ref[...], w1b_ref[...],
                           preferred_element_type=jnp.float32)


@jax.jit
def _tca_call(global_features, W1):
    return pl.pallas_call(
        _tca_body,
        grid=(1,),
        out_shape=jax.ShapeDtypeStruct((B, HIDDEN), jnp.float32),
        in_specs=[
            pl.BlockSpec((B, NODE_DIM), lambda i: (0, 0)),
            pl.BlockSpec((NODE_DIM, HIDDEN), lambda i: (1, 0)),
        ],
        out_specs=pl.BlockSpec((B, HIDDEN), lambda i: (0, 0)),
    )(global_features, W1)


def _tc_body(g_ref, glob_ref, w1_ref, b1_ref, w2_ref, b2_ref, sel_ref,
             mm_ref, out_ref):
    x = g_ref[...]
    node_part = jnp.dot(x, w1_ref[...],
                        preferred_element_type=jnp.float32)
    glob_part = glob_ref[...]
    rows = lax.broadcasted_iota(jnp.int32, (NSLOT, B), 0) // MAX_G
    cols = lax.broadcasted_iota(jnp.int32, (NSLOT, B), 1)
    expand = (rows == cols).astype(jnp.float32)
    gexp = jnp.dot(expand, glob_part, preferred_element_type=jnp.float32)
    h = jnp.maximum(node_part + gexp + b1_ref[...], 0.0)
    bi = lax.broadcasted_iota(jnp.int32, (B, NSLOT), 0)
    ci = lax.broadcasted_iota(jnp.int32, (B, NSLOT), 1)
    pieces = []
    for g in range(MAX_G):
        sg = (ci == bi * MAX_G + g).astype(jnp.float32)
        hg = jnp.dot(sg, h, preferred_element_type=jnp.float32)
        og = jnp.dot(hg, w2_ref[...],
                     preferred_element_type=jnp.float32) + b2_ref[...]
        pieces.append(og)
    out56 = jnp.concatenate(pieces, axis=1)
    selmat = jnp.where(ci // MAX_G == bi,
                       jnp.broadcast_to(sel_ref[...], (B, NSLOT)),
                       0).astype(jnp.float32)
    si = lax.broadcasted_iota(jnp.int32, (NSLOT, MAX_G * NUM_DIR), 0)
    oi = lax.broadcasted_iota(jnp.int32, (NSLOT, MAX_G * NUM_DIR), 1)
    proj = (oi // NUM_DIR == si % MAX_G).astype(jnp.float32)
    selv = jnp.dot(selmat, proj, preferred_element_type=jnp.float32)
    keepmask = jnp.logical_and(selv > 0.0, mm_ref[...])
    out_ref[...] = jnp.where(keepmask, out56, NEG)


@functools.partial(jax.jit, static_argnames=("interpret",))
def _tc_call(gathered, glob_part, W1, b1, W2, b2, selp1, mm,
             interpret=False):
    return pl.pallas_call(
        _tc_body,
        grid=(1,),
        out_shape=jax.ShapeDtypeStruct((B, MAX_G * NUM_DIR), jnp.float32),
        in_specs=[
            pl.BlockSpec((NSLOT, NODE_DIM), lambda i: (0, 0)),
            pl.BlockSpec((B, HIDDEN), lambda i: (0, 0)),
            pl.BlockSpec((NODE_DIM, HIDDEN), lambda i: (0, 0)),
            pl.BlockSpec((1, HIDDEN), lambda i: (0, 0)),
            pl.BlockSpec((HIDDEN, NUM_DIR), lambda i: (0, 0)),
            pl.BlockSpec((1, NUM_DIR), lambda i: (0, 0)),
            pl.BlockSpec((1, NSLOT), lambda i: (0, 0)),
            pl.BlockSpec((B, MAX_G * NUM_DIR), lambda i: (0, 0)),
        ],
        out_specs=pl.BlockSpec((B, MAX_G * NUM_DIR), lambda i: (0, 0)),
        interpret=interpret,
    )(gathered, glob_part, W1, b1.reshape(1, HIDDEN), W2,
      b2.reshape(1, NUM_DIR), selp1.reshape(1, NSLOT),
      mm.reshape(B, MAX_G * NUM_DIR))


def kernel(node_features, global_features, W1, b1, W2, b2,
           group_mask_nodes, batch, maneuver_mask):
    keep_i = group_mask_nodes.astype(jnp.int32)
    batch_i = batch.astype(jnp.int32)
    selp1, gathered = _sc_call(keep_i, batch_i, node_features)
    glob_part = _tca_call(global_features, W1)
    return _tc_call(gathered, glob_part, W1, b1, W2, b2, selp1,
                    maneuver_mask)

# --- scband reference (transcript-rebuilt; emitter-appended) ---
"""Pipeline reference for scband-maneuver-head-670014898684 (READ-ONLY COPY).

The authoritative reference and input builder live on the scoring server;
editing this copy changes nothing except your own understanding.
"""

import jax, jax.numpy as jnp
import numpy as np

NODE_DIM = 512
GLOBAL_DIM = 512
MAX_GROUPS = 8
HIDDEN = 1024
NUM_DIR = 7
N = 32768
B = 16


def setup_inputs(seed: int = 0) -> dict:
    key = jax.random.key(seed)
    ks = jax.random.split(key, 8)
    node_features = jax.random.normal(ks[0], (N, NODE_DIM), dtype=jnp.float32)
    global_features = jax.random.normal(ks[1], (B, GLOBAL_DIM), dtype=jnp.float32)
    group_mask_nodes = jax.random.randint(ks[2], (N,), 0, 2).astype(bool)
    batch = jnp.sort(jax.random.randint(ks[3], (N,), 0, B, dtype=jnp.int32))
    maneuver_mask = jax.random.randint(ks[4], (B, MAX_GROUPS, NUM_DIR), 0, 2).astype(bool)
    W1 = jax.random.normal(ks[5], (NODE_DIM + GLOBAL_DIM, HIDDEN), dtype=jnp.float32) * 0.02
    b1 = jnp.zeros((HIDDEN,), dtype=jnp.float32)
    W2 = jax.random.normal(ks[6], (HIDDEN, NUM_DIR), dtype=jnp.float32) * 0.02
    b2 = jnp.zeros((NUM_DIR,), dtype=jnp.float32)
    return {
        "node_features": node_features,
        "global_features": global_features,
        "W1": W1,
        "b1": b1,
        "W2": W2,
        "b2": b2,
        "group_mask_nodes": group_mask_nodes,
        "batch": batch,
        "maneuver_mask": maneuver_mask,
    }


def reference(node_features, global_features, W1, b1, W2, b2, group_mask_nodes, batch, maneuver_mask):
    bsz = global_features.shape[0]
    batch = batch.astype(jnp.int32)
    keep = group_mask_nodes.astype(jnp.int32)
    # per-row group slot index: exclusive count of prior kept rows with same batch id
    onehot = (batch[:, None] == jnp.arange(bsz, dtype=jnp.int32)[None, :]).astype(jnp.int32)
    cum = jnp.cumsum(onehot * keep[:, None], axis=0)
    incl = jnp.take_along_axis(cum, batch[:, None], axis=1)[:, 0]
    g_idx = incl - keep
    # direction head MLP on [node_feat ; global_feat[batch]]
    inp = jnp.concatenate([node_features, jnp.take(global_features, batch, axis=0)], axis=-1)
    h = jax.nn.relu(inp @ W1 + b1)
    out = h @ W2 + b2
    # scatter logits for kept rows with slot < max_groups (torch loop semantics)
    valid = group_mask_nodes & (g_idx < MAX_GROUPS)
    b_sc = jnp.where(valid, batch, bsz)  # out-of-bounds -> dropped
    g_sc = jnp.where(valid, g_idx, 0)
    logits = jnp.full((bsz, MAX_GROUPS, NUM_DIR), -1000000000.0, dtype=jnp.float32)
    logits = logits.at[b_sc, g_sc].set(out, mode="drop")
    logits = jnp.where(maneuver_mask, logits, -1000000000.0)
    return logits.reshape(bsz, -1)

if __name__ == "__main__":
    import jax
    _d = setup_inputs()
    print(jax.jit(kernel)(*tuple(_d.values())))

</pallas_src>

<mosaic_0001>
#map = affine_map<(d0, d1) -> (0)>
#map1 = affine_map<(d0, d1) -> (0, 0)>
module attributes {stable_mosaic.version = 14 : i64} {
  func.func @_sc_body(%arg0: i32, %arg1: i32, %arg2: memref<32768xi32, #tpu.memory_space<hbm>>, %arg3: memref<32768xi32, #tpu.memory_space<hbm>>, %arg4: memref<32768x512xf32, #tpu.memory_space<hbm>>, %arg5: memref<128xi32, #tpu.memory_space<hbm>>, %arg6: memref<128x512xf32, #tpu.memory_space<hbm>>, %arg7: memref<2048xi32, #tpu.memory_space<vmem>>, %arg8: memref<2048xi32, #tpu.memory_space<vmem>>, %arg9: memref<16xi32, #tpu.memory_space<vmem>>, %arg10: memref<16x16xi32, #tpu.memory_space<vmem>>, %arg11: memref<16xi32, #tpu.memory_space<vmem>>, %arg12: memref<16xi32, #tpu.memory_space<vmem>>, %arg13: memref<16xi32, #tpu.memory_space<vmem>>, %arg14: memref<16xi32, #tpu.memory_space<vmem>>, %arg15: memref<128xi32, #tpu.memory_space<vmem>>, %arg16: memref<16x128xi32, #tpu.memory_space<vmem>>, %arg17: memref<128xi32, #tpu.memory_space<vmem>>, %arg18: memref<16xi32, #tpu.memory_space<vmem>>, %arg19: memref<16xi32, #tpu.memory_space<vmem>>, %arg20: memref<16x512xf32, #tpu.memory_space<vmem>>, %arg21: memref<16x16xi32, #tpu.memory_space<vmem_shared>>, %arg22: memref<16x128xi32, #tpu.memory_space<vmem_shared>>, %arg23: memref<!tpu.dma_semaphore, #tpu.memory_space<semaphore_mem>>) attributes {dimension_semantics = [#tpu.dimension_semantics<core_parallel>, #tpu.dimension_semantics<subcore_parallel>], iteration_bounds = array<i64: 2, 16>, scalar_prefetch = 0 : i64, scratch_operands = 17 : i64, tpu.core_type = #tpu.core_type<sc_vector_subcore>, window_params = [{transform_indices = #map}, {transform_indices = #map}, {transform_indices = #map1}, {transform_indices = #map}, {transform_indices = #map1}]} {
    %mul3A = arith.constant 2048 : i32
    %mul3A_0 = arith.muli %arg1, %mul3A : i32
    %broadcast_in_dim3A = arith.constant 0 : i32
    %broadcast_in_dim3A_1 = vector.broadcast %broadcast_in_dim3A : i32 to vector<16xi32>
    %iota3A = tpu.iota {dimensions = array<i32: 0>} : vector<16xi32>
    %dma_start3A = tpu.memref_slice %arg3[%mul3A_0] : memref<32768xi32, #tpu.memory_space<hbm>> -> memref<2048xi32, #tpu.memory_space<hbm>>
    %dma_start3A_2 = tpu.memref_slice %arg3[%mul3A_0] : memref<32768xi32, #tpu.memory_space<hbm>> -> memref<2048xi32, #tpu.memory_space<hbm>>
    tpu.enqueue_dma source(%dma_start3A_2 : memref<2048xi32, #tpu.memory_space<hbm>>) target(%arg7 : memref<2048xi32, #tpu.memory_space<vmem>>) target_semaphore(%arg23 : memref<!tpu.dma_semaphore, #tpu.memory_space<semaphore_mem>>)
    %dma_start3A_3 = tpu.memref_slice %arg2[%mul3A_0] : memref<32768xi32, #tpu.memory_space<hbm>> -> memref<2048xi32, #tpu.memory_space<hbm>>
    %dma_start3A_4 = tpu.memref_slice %arg2[%mul3A_0] : memref<32768xi32, #tpu.memory_space<hbm>> -> memref<2048xi32, #tpu.memory_space<hbm>>
    tpu.enqueue_dma source(%dma_start3A_4 : memref<2048xi32, #tpu.memory_space<hbm>>) target(%arg8 : memref<2048xi32, #tpu.memory_space<vmem>>) target_semaphore(%arg23 : memref<!tpu.dma_semaphore, #tpu.memory_space<semaphore_mem>>)
    %dma_wait3A = tpu.memref_slice %arg3[%mul3A_0] : memref<32768xi32, #tpu.memory_space<hbm>> -> memref<2048xi32, #tpu.memory_space<hbm>>
    %dma_wait3A_5 = tpu.memref_slice %arg3[%mul3A_0] : memref<32768xi32, #tpu.memory_space<hbm>> -> memref<2048xi32, #tpu.memory_space<hbm>>
    tpu.wait_dma2 semaphore(%arg23 : memref<!tpu.dma_semaphore, #tpu.memory_space<semaphore_mem>>) src(%dma_wait3A_5 : memref<2048xi32, #tpu.memory_space<hbm>>) dst(%arg7 : memref<2048xi32, #tpu.memory_space<vmem>>)
    %dma_wait3A_6 = tpu.memref_slice %arg2[%mul3A_0] : memref<32768xi32, #tpu.memory_space<hbm>> -> memref<2048xi32, #tpu.memory_space<hbm>>
    %dma_wait3A_7 = tpu.memref_slice %arg2[%mul3A_0] : memref<32768xi32, #tpu.memory_space<hbm>> -> memref<2048xi32, #tpu.memory_space<hbm>>
    tpu.wait_dma2 semaphore(%arg23 : memref<!tpu.dma_semaphore, #tpu.memory_space<semaphore_mem>>) src(%dma_wait3A_7 : memref<2048xi32, #tpu.memory_space<hbm>>) dst(%arg8 : memref<2048xi32, #tpu.memory_space<vmem>>)
    %get3A = arith.constant 2032 : index
    %get3A_8 = tpu.vector_load %arg7[%get3A] {strides = array<i32>} : memref<2048xi32, #tpu.memory_space<vmem>>, vector<16xi32>,
    %reduce_max3A = arith.constant true
    %reduce_max3A_9 = vector.broadcast %reduce_max3A : i1 to vector<16xi1>
    %reduce_max3A_10 = arith.constant -2147483648 : i32
    %reduce_max3A_11 = vector.broadcast %reduce_max3A_10 : i32 to vector<16xi32>
    %reduce_max3A_12 = arith.xori %get3A_8, %reduce_max3A_11 : vector<16xi32>
    %reduce_max3A_13 = tpu.scan <max>, %reduce_max3A_12 masked %reduce_max3A_9 : vector<16xi32>, vector<16xi1> -> vector<16xi32>
    %reduce_max3A_14 = arith.xori %reduce_max3A_13, %reduce_max3A_11 : vector<16xi32>
    %reduce_max3A_15 = vector.extract %reduce_max3A_14[15] : i32 from vector<16xi32>
    %swap3A = arith.constant 0 : index
    %swap3A_16 = tpu.vector_load %arg9[%swap3A] {strides = array<i32>} : memref<16xi32, #tpu.memory_space<vmem>>, vector<16xi32>,
    tpu.vector_store %arg9[%swap3A], %broadcast_in_dim3A_1 {strides = array<i32>} : memref<16xi32, #tpu.memory_space<vmem>>, vector<16xi32>,
    %while3A = arith.constant 0 : i32
    %while3A_17 = arith.constant 0 : i32
    %while3A_18:2 = scf.while (%while3A_56 = %while3A, %while3A_57 = %while3A_17) : (i32, i32) -> (i32, i32) {
      %lt3A_58 = arith.constant 32 : i32
      %lt3A_59 = arith.cmpi slt, %while3A_56, %lt3A_58 : i32
      %eq3A = arith.constant 0 : i32
      %eq3A_60 = arith.cmpi eq, %while3A_57, %eq3A : i32
      %and3A = arith.andi %lt3A_59, %eq3A_60 : i1
      scf.condition(%and3A) %while3A_56, %while3A_57 : i32, i32
    } do {
    ^bb0(%while3A_56: i32, %while3A_57: i32):
      %mul3A_58 = arith.constant 4 : i32
      %mul3A_59 = arith.muli %while3A_56, %mul3A_58 : i32
      %add3A = arith.constant 0 : i32
      %add3A_60 = arith.addi %mul3A_59, %add3A : i32
      %mul3A_61 = arith.constant 16 : i32
      %mul3A_62 = arith.muli %add3A_60, %mul3A_61 : i32
      %get3A_63 = arith.index_cast %mul3A_62 : i32 to index
      %get3A_64 = tpu.vector_load %arg7[%get3A_63] {strides = array<i32>} : memref<2048xi32, #tpu.memory_space<vmem>>, vector<16xi32>,
      %get3A_65 = arith.index_cast %mul3A_62 : i32 to index
      %get3A_66 = tpu.vector_load %arg8[%get3A_65] {strides = array<i32>} : memref<2048xi32, #tpu.memory_space<vmem>>, vector<16xi32>,
      tpu.vector_store_idx %arg9[%get3A_64], %get3A_66 {add = true} : memref<16xi32, #tpu.memory_space<vmem>>[vector<16xi32>], vector<16xi32>,
      %mul3A_67 = arith.constant 4 : i32
      %mul3A_68 = arith.muli %while3A_56, %mul3A_67 : i32
      %add3A_69 = arith.constant 1 : i32
      %add3A_70 = arith.addi %mul3A_68, %add3A_69 : i32
      %mul3A_71 = arith.constant 16 : i32
      %mul3A_72 = arith.muli %add3A_70, %mul3A_71 : i32
      %get3A_73 = arith.index_cast %mul3A_72 : i32 to index
      %get3A_74 = tpu.vector_load %arg7[%get3A_73] {strides = array<i32>} : memref<2048xi32, #tpu.memory_space<vmem>>, vector<16xi32>,
      %get3A_75 = arith.index_cast %mul3A_72 : i32 to index
      %get3A_76 = tpu.vector_load %arg8[%get3A_75] {strides = array<i32>} : memref<2048xi32, #tpu.memory_space<vmem>>, vector<16xi32>,
      tpu.vector_store_idx %arg9[%get3A_74], %get3A_76 {add = true} : memref<16xi32, #tpu.memory_space<vmem>>[vector<16xi32>], vector<16xi32>,
      %mul3A_77 = arith.constant 4 : i32
      %mul3A_78 = arith.muli %while3A_56, %mul3A_77 : i32
      %add3A_79 = arith.constant 2 : i32
      %add3A_80 = arith.addi %mul3A_78, %add3A_79 : i32
      %mul3A_81 = arith.constant 16 : i32
      %mul3A_82 = arith.muli %add3A_80, %mul3A_81 : i32
      %get3A_83 = arith.index_cast %mul3A_82 : i32 to index
      %get3A_84 = tpu.vector_load %arg7[%get3A_83] {strides = array<i32>} : memref<2048xi32, #tpu.memory_space<vmem>>, vector<16xi32>,
      %get3A_85 = arith.index_cast %mul3A_82 : i32 to index
      %get3A_86 = tpu.vector_load %arg8[%get3A_85] {strides = array<i32>} : memref<2048xi32, #tpu.memory_space<vmem>>, vector<16xi32>,
      tpu.vector_store_idx %arg9[%get3A_84], %get3A_86 {add = true} : memref<16xi32, #tpu.memory_space<vmem>>[vector<16xi32>], vector<16xi32>,
      %mul3A_87 = arith.constant 4 : i32
      %mul3A_88 = arith.muli %while3A_56, %mul3A_87 : i32
      %add3A_89 = arith.constant 3 : i32
      %add3A_90 = arith.addi %mul3A_88, %add3A_89 : i32
      %mul3A_91 = arith.constant 16 : i32
      %mul3A_92 = arith.muli %add3A_90, %mul3A_91 : i32
      %get3A_93 = arith.index_cast %mul3A_92 : i32 to index
      %get3A_94 = tpu.vector_load %arg7[%get3A_93] {strides = array<i32>} : memref<2048xi32, #tpu.memory_space<vmem>>, vector<16xi32>,
      %get3A_95 = arith.index_cast %mul3A_92 : i32 to index
      %get3A_96 = tpu.vector_load %arg8[%get3A_95] {strides = array<i32>} : memref<2048xi32, #tpu.memory_space<vmem>>, vector<16xi32>,
      tpu.vector_store_idx %arg9[%get3A_94], %get3A_96 {add = true} : memref<16xi32, #tpu.memory_space<vmem>>[vector<16xi32>], vector<16xi32>,
      %add3A_97 = arith.constant 1 : i32
      %add3A_98 = arith.addi %while3A_56, %add3A_97 : i32
      %mul3A_99 = arith.constant 4 : i32
      %mul3A_100 = arith.muli %add3A_98, %mul3A_99 : i32
      %sub3A = arith.constant 1 : i32
      %sub3A_101 = arith.subi %mul3A_100, %sub3A : i32
      %mul3A_102 = arith.constant 16 : i32
      %mul3A_103 = arith.muli %sub3A_101, %mul3A_102 : i32
      %get3A_104 = arith.index_cast %mul3A_103 : i32 to index
      %get3A_105 = tpu.vector_load %arg7[%get3A_104] {strides = array<i32>} : memref<2048xi32, #tpu.memory_space<vmem>>, vector<16xi32>,
      %reduce_max3A_106 = arith.constant true
      %reduce_max3A_107 = vector.broadcast %reduce_max3A_106 : i1 to vector<16xi1>
      %reduce_max3A_108 = arith.constant -2147483648 : i32
      %reduce_max3A_109 = vector.broadcast %reduce_max3A_108 : i32 to vector<16xi32>
      %reduce_max3A_110 = arith.xori %get3A_105, %reduce_max3A_109 : vector<16xi32>
      %reduce_max3A_111 = tpu.scan <max>, %reduce_max3A_110 masked %reduce_max3A_107 : vector<16xi32>, vector<16xi1> -> vector<16xi32>
      %reduce_max3A_112 = arith.xori %reduce_max3A_111, %reduce_max3A_109 : vector<16xi32>
      %reduce_max3A_113 = vector.extract %reduce_max3A_112[15] : i32 from vector<16xi32>
      %eq3A = vector.broadcast %reduce_max3A_113 : i32 to vector<16xi32>
      %eq3A_114 = arith.cmpi eq, %iota3A, %eq3A : vector<16xi32>
      %get3A_115 = arith.constant 0 : index
      %get3A_116 = tpu.vector_load %arg9[%get3A_115] {strides = array<i32>} : memref<16xi32, #tpu.memory_space<vmem>>, vector<16xi32>,
      %jit3A = arith.constant 1000 : i32
      %broadcast_in_dim3A_117 = vector.broadcast %jit3A : i32 to vector<16xi32>
      %select_n3A = arith.select %eq3A_114, %get3A_116, %broadcast_in_dim3A_117 : vector<16xi1>, vector<16xi32>
      %reduce_min3A = arith.constant true
      %reduce_min3A_118 = vector.broadcast %reduce_min3A : i1 to vector<16xi1>
      %reduce_min3A_119 = arith.constant -2147483648 : i32
      %reduce_min3A_120 = vector.broadcast %reduce_min3A_119 : i32 to vector<16xi32>
      %reduce_min3A_121 = arith.xori %select_n3A, %reduce_min3A_120 : vector<16xi32>
      %reduce_min3A_122 = tpu.scan <min>, %reduce_min3A_121 masked %reduce_min3A_118 : vector<16xi32>, vector<16xi1> -> vector<16xi32>
      %reduce_min3A_123 = arith.xori %reduce_min3A_122, %reduce_min3A_120 : vector<16xi32>
      %reduce_min3A_124 = vector.extract %reduce_min3A_123[15] : i32 from vector<16xi32>
      %ge3A = arith.constant 8 : i32
      %ge3A_125 = arith.cmpi sge, %reduce_min3A_124, %ge3A : i32
      %ge3A_126 = arith.cmpi sge, %reduce_max3A_113, %reduce_max3A_15 : i32
      %and3A = arith.andi %ge3A_125, %ge3A_126 : i1
      %not3A = arith.constant true
      %not3A_127 = arith.xori %ge3A_126, %not3A : i1
      %and3A_128 = arith.andi %ge3A_125, %not3A_127 : i1
      %add3A_129 = arith.constant 1 : i32
      %add3A_130 = arith.addi %while3A_56, %add3A_129 : i32
      %scan3A = arith.constant 32 : i32
      %scan3A_131 = arith.constant 0 : i32
      %scan3A_132 = arith.constant 5 : i32
      %scan3A_133 = arith.addi %scan3A_131, %scan3A_132 : i32
      %scan3A_134 = arith.constant 1 : i32
      %scan3A_135:2 = scf.for %scan3A_141 = %scan3A_131 to %scan3A_133 step %scan3A_134 iter_args(%scan3A_142 = %add3A_130, %scan3A_143 = %scan3A) -> (i32, i32)  : i32 {
        %add3A_144 = arith.addi %scan3A_142, %scan3A_143 : i32
        %jit3A_145 = arith.constant 2 : i32
        %div3A = arith.divsi %add3A_144, %jit3A_145 : i32
        %sign3A = arith.constant 0 : i32
        %sign3A_146 = arith.cmpi sgt, %add3A_144, %sign3A : i32
        %sign3A_147 = arith.extui %sign3A_146 : i1 to i32
        %sign3A_148 = arith.constant 0 : i32
        %sign3A_149 = arith.cmpi slt, %add3A_144, %sign3A_148 : i32
        %sign3A_150 = arith.extui %sign3A_149 : i1 to i32
        %sign3A_151 = arith.subi %sign3A_147, %sign3A_150 : i32
        %sign3A_152 = arith.constant 0 : i32
        %sign3A_153 = arith.cmpi sgt, %jit3A_145, %sign3A_152 : i32
        %sign3A_154 = arith.extui %sign3A_153 : i1 to i32
        %sign3A_155 = arith.constant 0 : i32
        %sign3A_156 = arith.cmpi slt, %jit3A_145, %sign3A_155 : i32
        %sign3A_157 = arith.extui %sign3A_156 : i1 to i32
        %sign3A_158 = arith.subi %sign3A_154, %sign3A_157 : i32
        %ne3A = arith.cmpi ne, %sign3A_151, %sign3A_158 : i32
        %rem3A = arith.remsi %add3A_144, %jit3A_145 : i32
        %ne3A_159 = arith.constant 0 : i32
        %ne3A_160 = arith.cmpi ne, %rem3A, %ne3A_159 : i32
        %and3A_161 = arith.andi %ne3A, %ne3A_160 : i1
        %sub3A_162 = arith.constant 1 : i32
        %sub3A_163 = arith.subi %div3A, %sub3A_162 : i32
        %select_n3A_164 = arith.select %and3A_161, %sub3A_163, %div3A : i32
        %min3A = arith.constant 31 : i32
        %min3A_165 = arith.minsi %select_n3A_164, %min3A : i32
        %add3A_166 = arith.constant 1 : i32
        %add3A_167 = arith.addi %min3A_165, %add3A_166 : i32
        %mul3A_168 = arith.constant 4 : i32
        %mul3A_169 = arith.muli %add3A_167, %mul3A_168 : i32
        %sub3A_170 = arith.constant 1 : i32
        %sub3A_171 = arith.subi %mul3A_169, %sub3A_170 : i32
        %mul3A_172 = arith.constant 16 : i32
        %mul3A_173 = arith.muli %sub3A_171, %mul3A_172 : i32
        %get3A_174 = arith.index_cast %mul3A_173 : i32 to index
        %get3A_175 = tpu.vector_load %arg7[%get3A_174] {strides = array<i32>} : memref<2048xi32, #tpu.memory_space<vmem>>, vector<16xi32>,
        %reduce_max3A_176 = arith.constant true
        %reduce_max3A_177 = vector.broadcast %reduce_max3A_176 : i1 to vector<16xi1>
        %reduce_max3A_178 = arith.constant -2147483648 : i32
        %reduce_max3A_179 = vector.broadcast %reduce_max3A_178 : i32 to vector<16xi32>
        %reduce_max3A_180 = arith.xori %get3A_175, %reduce_max3A_179 : vector<16xi32>
        %reduce_max3A_181 = tpu.scan <max>, %reduce_max3A_180 masked %reduce_max3A_177 : vector<16xi32>, vector<16xi1> -> vector<16xi32>
        %reduce_max3A_182 = arith.xori %reduce_max3A_181, %reduce_max3A_179 : vector<16xi32>
        %reduce_max3A_183 = vector.extract %reduce_max3A_182[15] : i32 from vector<16xi32>
        %gt3A = arith.cmpi sgt, %reduce_max3A_183, %reduce_max3A_113 : i32
        %add3A_184 = arith.constant 1 : i32
        %add3A_185 = arith.addi %min3A_165, %add3A_184 : i32
        %select_n3A_186 = arith.select %gt3A, %scan3A_142, %add3A_185 : i32
        %select_n3A_187 = arith.select %gt3A, %min3A_165, %scan3A_143 : i32
        scf.yield %select_n3A_186, %select_n3A_187 : i32, i32
      }
      %scan3A_136 = arith.constant 5 : i32
      %add3A_137 = arith.constant 1 : i32
      %add3A_138 = arith.addi %while3A_56, %add3A_137 : i32
      %select_n3A_139 = arith.select %and3A_128, %scan3A_135#0, %add3A_138 : i32
      %convert_element_type3A_140 = arith.extui %and3A : i1 to i32
      scf.yield %select_n3A_139, %convert_element_type3A_140 : i32, i32
    }
    %swap3A_19 = arith.constant 0 : index
    %swap3A_20 = tpu.vector_load %arg15[%swap3A_19] {strides = array<i32>} : memref<128xi32, #tpu.memory_space<vmem>>, vector<16xi32>,
    tpu.vector_store %arg15[%swap3A_19], %broadcast_in_dim3A_1 {strides = array<i32>} : memref<128xi32, #tpu.memory_space<vmem>>, vector<16xi32>,
    %swap3A_21 = arith.constant 16 : index
    %swap3A_22 = tpu.vector_load %arg15[%swap3A_21] {strides = array<i32>} : memref<128xi32, #tpu.memory_space<vmem>>, vector<16xi32>,
    tpu.vector_store %arg15[%swap3A_21], %broadcast_in_dim3A_1 {strides = array<i32>} : memref<128xi32, #tpu.memory_space<vmem>>, vector<16xi32>,
    %swap3A_23 = arith.constant 32 : index
    %swap3A_24 = tpu.vector_load %arg15[%swap3A_23] {strides = array<i32>} : memref<128xi32, #tpu.memory_space<vmem>>, vector<16xi32>,
    tpu.vector_store %arg15[%swap3A_23], %broadcast_in_dim3A_1 {strides = array<i32>} : memref<128xi32, #tpu.memory_space<vmem>>, vector<16xi32>,
    %swap3A_25 = arith.constant 48 : index
    %swap3A_26 = tpu.vector_load %arg15[%swap3A_25] {strides = array<i32>} : memref<128xi32, #tpu.memory_space<vmem>>, vector<16xi32>,
    tpu.vector_store %arg15[%swap3A_25], %broadcast_in_dim3A_1 {strides = array<i32>} : memref<128xi32, #tpu.memory_space<vmem>>, vector<16xi32>,
    %swap3A_27 = arith.constant 64 : index
    %swap3A_28 = tpu.vector_load %arg15[%swap3A_27] {strides = array<i32>} : memref<128xi32, #tpu.memory_space<vmem>>, vector<16xi32>,
    tpu.vector_store %arg15[%swap3A_27], %broadcast_in_dim3A_1 {strides = array<i32>} : memref<128xi32, #tpu.memory_space<vmem>>, vector<16xi32>,
    %swap3A_29 = arith.constant 80 : index
    %swap3A_30 = tpu.vector_load %arg15[%swap3A_29] {strides = array<i32>} : memref<128xi32, #tpu.memory_space<vmem>>, vector<16xi32>,
    tpu.vector_store %arg15[%swap3A_29], %broadcast_in_dim3A_1 {strides = array<i32>} : memref<128xi32, #tpu.memory_space<vmem>>, vector<16xi32>,
    %swap3A_31 = arith.constant 96 : index
    %swap3A_32 = tpu.vector_load %arg15[%swap3A_31] {strides = array<i32>} : memref<128xi32, #tpu.memory_space<vmem>>, vector<16xi32>,
    tpu.vector_store %arg15[%swap3A_31], %broadcast_in_dim3A_1 {strides = array<i32>} : memref<128xi32, #tpu.memory_space<vmem>>, vector<16xi32>,
    %swap3A_33 = arith.constant 112 : index
    %swap3A_34 = tpu.vector_load %arg15[%swap3A_33] {strides = array<i32>} : memref<128xi32, #tpu.memory_space<vmem>>, vector<16xi32>,
    tpu.vector_store %arg15[%swap3A_33], %broadcast_in_dim3A_1 {strides = array<i32>} : memref<128xi32, #tpu.memory_space<vmem>>, vector<16xi32>,
    "tpu.region"() ({
      %run_scoped3A = tpu.sem_alloc : memref<!tpu.dma_semaphore, #tpu.memory_space<semaphore_mem>>
      %dma_start3A_56 = arith.constant 0 : i32
      %dma_start3A_57 = tpu.memref_slice %arg21[%arg1, %dma_start3A_56] : memref<16x16xi32, #tpu.memory_space<vmem_shared>> -> memref<1x16xi32, #tpu.memory_space<vmem_shared>>
      %dma_start3A_58 = tpu.memref_squeeze %dma_start3A_57 : memref<1x16xi32, #tpu.memory_space<vmem_shared>> -> memref<16xi32, #tpu.memory_space<vmem_shared>>
      %dma_start3A_59 = arith.constant 0 : i32
      %dma_start3A_60 = tpu.memref_slice %arg21[%arg1, %dma_start3A_59] : memref<16x16xi32, #tpu.memory_space<vmem_shared>> -> memref<1x16xi32, #tpu.memory_space<vmem_shared>>
      %dma_start3A_61 = tpu.memref_squeeze %dma_start3A_60 : memref<1x16xi32, #tpu.memory_space<vmem_shared>> -> memref<16xi32, #tpu.memory_space<vmem_shared>>
      tpu.enqueue_dma source(%arg9 : memref<16xi32, #tpu.memory_space<vmem>>) target(%dma_start3A_61 : memref<16xi32, #tpu.memory_space<vmem_shared>>) target_semaphore(%run_scoped3A : memref<!tpu.dma_semaphore, #tpu.memory_space<semaphore_mem>>)
      %dma_wait3A_62 = arith.constant 0 : i32
      %dma_wait3A_63 = tpu.memref_slice %arg21[%arg1, %dma_wait3A_62] : memref<16x16xi32, #tpu.memory_space<vmem_shared>> -> memref<1x16xi32, #tpu.memory_space<vmem_shared>>
      %dma_wait3A_64 = tpu.memref_squeeze %dma_wait3A_63 : memref<1x16xi32, #tpu.memory_space<vmem_shared>> -> memref<16xi32, #tpu.memory_space<vmem_shared>>
      %dma_wait3A_65 = arith.constant 0 : i32
      %dma_wait3A_66 = tpu.memref_slice %arg21[%arg1, %dma_wait3A_65] : memref<16x16xi32, #tpu.memory_space<vmem_shared>> -> memref<1x16xi32, #tpu.memory_space<vmem_shared>>
      %dma_wait3A_67 = tpu.memref_squeeze %dma_wait3A_66 : memref<1x16xi32, #tpu.memory_space<vmem_shared>> -> memref<16xi32, #tpu.memory_space<vmem_shared>>
      tpu.wait_dma2 semaphore(%run_scoped3A : memref<!tpu.dma_semaphore, #tpu.memory_space<semaphore_mem>>) src(%arg9 : memref<16xi32, #tpu.memory_space<vmem>>) dst(%dma_wait3A_67 : memref<16xi32, #tpu.memory_space<vmem_shared>>)
      tpu.yield
    }) : () -> ()
    %barrier3A = arith.constant 0 : index
    tpu.barrier barrier_id(%barrier3A)
    "tpu.region"() ({
      %run_scoped3A = tpu.sem_alloc : memref<!tpu.dma_semaphore, #tpu.memory_space<semaphore_mem>>
      tpu.enqueue_dma source(%arg21 : memref<16x16xi32, #tpu.memory_space<vmem_shared>>) target(%arg10 : memref<16x16xi32, #tpu.memory_space<vmem>>) target_semaphore(%run_scoped3A : memref<!tpu.dma_semaphore, #tpu.memory_space<semaphore_mem>>)
      tpu.wait_dma2 semaphore(%run_scoped3A : memref<!tpu.dma_semaphore, #tpu.memory_space<semaphore_mem>>) src(%arg21 : memref<16x16xi32, #tpu.memory_space<vmem_shared>>) dst(%arg10 : memref<16x16xi32, #tpu.memory_space<vmem>>)
      tpu.yield
    }) : () -> ()
    %while3A_35 = arith.constant 0 : i32
    %while3A_36 = arith.subi %arg1, %while3A_35 : i32
    %while3A_37 = arith.addi %while3A_35, %while3A_36 : i32
    %while3A_38 = arith.constant 1 : i32
    %while3A_39 = arith.divsi %while3A_36, %while3A_38 : i32
    %while3A_40 = arith.muli %while3A_39, %while3A_38 : i32
    %while3A_41 = arith.addi %while3A_35, %while3A_40 : i32
    %while3A_42 = arith.constant 1 : i32
    %while3A_43 = scf.for %while3A_56 = %while3A_35 to %while3A_41 step %while3A_42 iter_args(%while3A_57 = %broadcast_in_dim3A_1) -> (vector<16xi32>)  : i32 {
      %get3A_58 = arith.index_cast %while3A_56 : i32 to index
      %get3A_59 = arith.constant 0 : index
      %get3A_60 = tpu.vector_load %arg10[%get3A_58, %get3A_59] {strides = array<i32>} : memref<16x16xi32, #tpu.memory_space<vmem>>, vector<16xi32>,
      %add3A = arith.addi %while3A_57, %get3A_60 : vector<16xi32>
      scf.yield %add3A : vector<16xi32>
    }
    %while3A_44 = arith.constant 1 : i32
    %while3A_45 = scf.for %while3A_56 = %while3A_41 to %while3A_37 step %while3A_44 iter_args(%while3A_57 = %while3A_43) -> (vector<16xi32>)  : i32 {
      %get3A_58 = arith.index_cast %while3A_56 : i32 to index
      %get3A_59 = arith.constant 0 : index
      %get3A_60 = tpu.vector_load %arg10[%get3A_58, %get3A_59] {strides = array<i32>} : memref<16x16xi32, #tpu.memory_space<vmem>>, vector<16xi32>,
      %add3A = arith.addi %while3A_57, %get3A_60 : vector<16xi32>
      scf.yield %add3A : vector<16xi32>
    }
    %swap3A_46 = arith.constant 0 : index
    %swap3A_47 = tpu.vector_load %arg12[%swap3A_46] {strides = array<i32>} : memref<16xi32, #tpu.memory_space<vmem>>, vector<16xi32>,
    tpu.vector_store %arg12[%swap3A_46], %while3A_45 {strides = array<i32>} : memref<16xi32, #tpu.memory_space<vmem>>, vector<16xi32>,
    %swap3A_48 = arith.constant 0 : index
    %swap3A_49 = tpu.vector_load %arg11[%swap3A_48] {strides = array<i32>} : memref<16xi32, #tpu.memory_space<vmem>>, vector<16xi32>,
    tpu.vector_store %arg11[%swap3A_48], %while3A_45 {strides = array<i32>} : memref<16xi32, #tpu.memory_space<vmem>>, vector<16xi32>,
    %while3A_50 = arith.constant 0 : i32
    %while3A_51 = arith.constant 0 : i32
    %while3A_52:2 = scf.while (%while3A_56 = %while3A_50, %while3A_57 = %while3A_51) : (i32, i32) -> (i32, i32) {
      %lt3A_58 = arith.constant 32 : i32
      %lt3A_59 = arith.cmpi slt, %while3A_56, %lt3A_58 : i32
      %eq3A = arith.constant 0 : i32
      %eq3A_60 = arith.cmpi eq, %while3A_57, %eq3A : i32
      %and3A = arith.andi %lt3A_59, %eq3A_60 : i1
      scf.condition(%and3A) %while3A_56, %while3A_57 : i32, i32
    } do {
    ^bb0(%while3A_56: i32, %while3A_57: i32):
      %mul3A_58 = arith.constant 4 : i32
      %mul3A_59 = arith.muli %while3A_56, %mul3A_58 : i32
      %add3A = arith.constant 0 : i32
      %add3A_60 = arith.addi %mul3A_59, %add3A : i32
      %mul3A_61 = arith.constant 16 : i32
      %mul3A_62 = arith.muli %add3A_60, %mul3A_61 : i32
      %get3A_63 = arith.index_cast %mul3A_62 : i32 to index
      %get3A_64 = tpu.vector_load %arg7[%get3A_63] {strides = array<i32>} : memref<2048xi32, #tpu.memory_space<vmem>>, vector<16xi32>,
      %get3A_65 = arith.index_cast %mul3A_62 : i32 to index
      %get3A_66 = tpu.vector_load %arg8[%get3A_65] {strides = array<i32>} : memref<2048xi32, #tpu.memory_space<vmem>>, vector<16xi32>,
      %swap3A_67 = arith.constant 0 : index
      %swap3A_68 = tpu.vector_load %arg13[%swap3A_67] {strides = array<i32>} : memref<16xi32, #tpu.memory_space<vmem>>, vector<16xi32>,
      tpu.vector_store %arg13[%swap3A_67], %broadcast_in_dim3A_1 {strides = array<i32>} : memref<16xi32, #tpu.memory_space<vmem>>, vector<16xi32>,
      tpu.vector_store_idx %arg13[%get3A_64], %get3A_66 {add = true} : memref<16xi32, #tpu.memory_space<vmem>>[vector<16xi32>], vector<16xi32>,
      %get3A_69 = arith.constant 0 : index
      %get3A_70 = tpu.vector_load %arg13[%get3A_69] {strides = array<i32>} : memref<16xi32, #tpu.memory_space<vmem>>, vector<16xi32>,
      %broadcast_in_dim3A_71 = arith.constant true
      %broadcast_in_dim3A_72 = vector.broadcast %broadcast_in_dim3A_71 : i1 to vector<16xi1>
      %masked_cumsum3A = tpu.scan <sum>, %get3A_70 masked %broadcast_in_dim3A_72 : vector<16xi32>, vector<16xi1> -> vector<16xi32>
      %sub3A = arith.subi %masked_cumsum3A, %get3A_70 : vector<16xi32>
      %swap3A_73 = arith.constant 0 : index
      %swap3A_74 = tpu.vector_load %arg14[%swap3A_73] {strides = array<i32>} : memref<16xi32, #tpu.memory_space<vmem>>, vector<16xi32>,
      tpu.vector_store %arg14[%swap3A_73], %sub3A {strides = array<i32>} : memref<16xi32, #tpu.memory_space<vmem>>, vector<16xi32>,
      %gather3A = tpu.vector_load_idx %arg14[%get3A_64] : memref<16xi32, #tpu.memory_space<vmem>>[vector<16xi32>], vector<16xi32>,
      %broadcast_in_dim3A_75 = arith.constant true
      %broadcast_in_dim3A_76 = vector.broadcast %broadcast_in_dim3A_75 : i1 to vector<16xi1>
      %masked_cumsum3A_77 = tpu.scan <sum>, %get3A_66 masked %broadcast_in_dim3A_76 : vector<16xi32>, vector<16xi1> -> vector<16xi32>
      %sub3A_78 = arith.subi %masked_cumsum3A_77, %get3A_66 : vector<16xi32>
      %gather3A_79 = tpu.vector_load_idx %arg11[%get3A_64] : memref<16xi32, #tpu.memory_space<vmem>>[vector<16xi32>], vector<16xi32>,
      %add3A_80 = arith.addi %gather3A_79, %sub3A_78 : vector<16xi32>
      %sub3A_81 = arith.subi %add3A_80, %gather3A : vector<16xi32>
      %gt3A = arith.constant 0 : i32
      %gt3A_82 = vector.broadcast %gt3A : i32 to vector<16xi32>
      %gt3A_83 = arith.cmpi sgt, %get3A_66, %gt3A_82 : vector<16xi32>
      %lt3A_84 = arith.constant 8 : i32
      %lt3A_85 = vector.broadcast %lt3A_84 : i32 to vector<16xi32>
      %lt3A_86 = arith.cmpi slt, %sub3A_81, %lt3A_85 : vector<16xi32>
      %and3A = arith.andi %gt3A_83, %lt3A_86 : vector<16xi1>
      %mul3A_87 = arith.constant 8 : i32
      %mul3A_88 = vector.broadcast %mul3A_87 : i32 to vector<16xi32>
      %mul3A_89 = arith.muli %get3A_64, %mul3A_88 : vector<16xi32>
      %add3A_90 = arith.addi %mul3A_89, %sub3A_81 : vector<16xi32>
      %jit3A = arith.constant 0 : i32
      %broadcast_in_dim3A_91 = vector.broadcast %jit3A : i32 to vector<16xi32>
      %select_n3A = arith.select %and3A, %add3A_90, %broadcast_in_dim3A_91 : vector<16xi1>, vector<16xi32>
      %add3A_92 = arith.addi %mul3A_0, %mul3A_62 : i32
      %add3A_93 = vector.broadcast %add3A_92 : i32 to vector<16xi32>
      %add3A_94 = arith.addi %add3A_93, %iota3A : vector<16xi32>
      %add3A_95 = arith.constant 1 : i32
      %add3A_96 = vector.broadcast %add3A_95 : i32 to vector<16xi32>
      %add3A_97 = arith.addi %add3A_94, %add3A_96 : vector<16xi32>
      tpu.vector_store_idx %arg15[%select_n3A], %add3A_97 masked %and3A : memref<128xi32, #tpu.memory_space<vmem>>[vector<16xi32>], vector<16xi32>, vector<16xi1>
      %get3A_98 = arith.constant 0 : index
      %get3A_99 = tpu.vector_load %arg11[%get3A_98] {strides = array<i32>} : memref<16xi32, #tpu.memory_space<vmem>>, vector<16xi32>,
      %add3A_100 = arith.addi %get3A_99, %get3A_70 : vector<16xi32>
      %swap3A_101 = arith.constant 0 : index
      %swap3A_102 = tpu.vector_load %arg11[%swap3A_101] {strides = array<i32>} : memref<16xi32, #tpu.memory_space<vmem>>, vector<16xi32>,
      tpu.vector_store %arg11[%swap3A_101], %add3A_100 {strides = array<i32>} : memref<16xi32, #tpu.memory_space<vmem>>, vector<16xi32>,
      %mul3A_103 = arith.constant 4 : i32
      %mul3A_104 = arith.muli %while3A_56, %mul3A_103 : i32
      %add3A_105 = arith.constant 1 : i32
      %add3A_106 = arith.addi %mul3A_104, %add3A_105 : i32
      %mul3A_107 = arith.constant 16 : i32
      %mul3A_108 = arith.muli %add3A_106, %mul3A_107 : i32
      %get3A_109 = arith.index_cast %mul3A_108 : i32 to index
      %get3A_110 = tpu.vector_load %arg7[%get3A_109] {strides = array<i32>} : memref<2048xi32, #tpu.memory_space<vmem>>, vector<16xi32>,
      %get3A_111 = arith.index_cast %mul3A_108 : i32 to index
      %get3A_112 = tpu.vector_load %arg8[%get3A_111] {strides = array<i32>} : memref<2048xi32, #tpu.memory_space<vmem>>, vector<16xi32>,
      %swap3A_113 = arith.constant 0 : index
      %swap3A_114 = tpu.vector_load %arg13[%swap3A_113] {strides = array<i32>} : memref<16xi32, #tpu.memory_space<vmem>>, vector<16xi32>,
      tpu.vector_store %arg13[%swap3A_113], %broadcast_in_dim3A_1 {strides = array<i32>} : memref<16xi32, #tpu.memory_space<vmem>>, vector<16xi32>,
      tpu.vector_store_idx %arg13[%get3A_110], %get3A_112 {add = true} : memref<16xi32, #tpu.memory_space<vmem>>[vector<16xi32>], vector<16xi32>,
      %get3A_115 = arith.constant 0 : index
      %get3A_116 = tpu.vector_load %arg13[%get3A_115] {strides = array<i32>} : memref<16xi32, #tpu.memory_space<vmem>>, vector<16xi32>,
      %broadcast_in_dim3A_117 = arith.constant true
      %broadcast_in_dim3A_118 = vector.broadcast %broadcast_in_dim3A_117 : i1 to vector<16xi1>
      %masked_cumsum3A_119 = tpu.scan <sum>, %get3A_116 masked %broadcast_in_dim3A_118 : vector<16xi32>, vector<16xi1> -> vector<16xi32>
      %sub3A_120 = arith.subi %masked_cumsum3A_119, %get3A_116 : vector<16xi32>
      %swap3A_121 = arith.constant 0 : index
      %swap3A_122 = tpu.vector_load %arg14[%swap3A_121] {strides = array<i32>} : memref<16xi32, #tpu.memory_space<vmem>>, vector<16xi32>,
      tpu.vector_store %arg14[%swap3A_121], %sub3A_120 {strides = array<i32>} : memref<16xi32, #tpu.memory_space<vmem>>, vector<16xi32>,
      %gather3A_123 = tpu.vector_load_idx %arg14[%get3A_110] : memref<16xi32, #tpu.memory_space<vmem>>[vector<16xi32>], vector<16xi32>,
      %broadcast_in_dim3A_124 = arith.constant true
      %broadcast_in_dim3A_125 = vector.broadcast %broadcast_in_dim3A_124 : i1 to vector<16xi1>
      %masked_cumsum3A_126 = tpu.scan <sum>, %get3A_112 masked %broadcast_in_dim3A_125 : vector<16xi32>, vector<16xi1> -> vector<16xi32>
      %sub3A_127 = arith.subi %masked_cumsum3A_126, %get3A_112 : vector<16xi32>
      %gather3A_128 = tpu.vector_load_idx %arg11[%get3A_110] : memref<16xi32, #tpu.memory_space<vmem>>[vector<16xi32>], vector<16xi32>,
      %add3A_129 = arith.addi %gather3A_128, %sub3A_127 : vector<16xi32>
      %sub3A_130 = arith.subi %add3A_129, %gather3A_123 : vector<16xi32>
      %gt3A_131 = arith.constant 0 : i32
      %gt3A_132 = vector.broadcast %gt3A_131 : i32 to vector<16xi32>
      %gt3A_133 = arith.cmpi sgt, %get3A_112, %gt3A_132 : vector<16xi32>
      %lt3A_134 = arith.constant 8 : i32
      %lt3A_135 = vector.broadcast %lt3A_134 : i32 to vector<16xi32>
      %lt3A_136 = arith.cmpi slt, %sub3A_130, %lt3A_135 : vector<16xi32>
      %and3A_137 = arith.andi %gt3A_133, %lt3A_136 : vector<16xi1>
      %mul3A_138 = arith.constant 8 : i32
      %mul3A_139 = vector.broadcast %mul3A_138 : i32 to vector<16xi32>
      %mul3A_140 = arith.muli %get3A_110, %mul3A_139 : vector<16xi32>
      %add3A_141 = arith.addi %mul3A_140, %sub3A_130 : vector<16xi32>
      %jit3A_142 = arith.constant 0 : i32
      %broadcast_in_dim3A_143 = vector.broadcast %jit3A_142 : i32 to vector<16xi32>
      %select_n3A_144 = arith.select %and3A_137, %add3A_141, %broadcast_in_dim3A_143 : vector<16xi1>, vector<16xi32>
      %add3A_145 = arith.addi %mul3A_0, %mul3A_108 : i32
      %add3A_146 = vector.broadcast %add3A_145 : i32 to vector<16xi32>
      %add3A_147 = arith.addi %add3A_146, %iota3A : vector<16xi32>
      %add3A_148 = arith.constant 1 : i32
      %add3A_149 = vector.broadcast %add3A_148 : i32 to vector<16xi32>
      %add3A_150 = arith.addi %add3A_147, %add3A_149 : vector<16xi32>
      tpu.vector_store_idx %arg15[%select_n3A_144], %add3A_150 masked %and3A_137 : memref<128xi32, #tpu.memory_space<vmem>>[vector<16xi32>], vector<16xi32>, vector<16xi1>
      %get3A_151 = arith.constant 0 : index
      %get3A_152 = tpu.vector_load %arg11[%get3A_151] {strides = array<i32>} : memref<16xi32, #tpu.memory_space<vmem>>, vector<16xi32>,
      %add3A_153 = arith.addi %get3A_152, %get3A_116 : vector<16xi32>
      %swap3A_154 = arith.constant 0 : index
      %swap3A_155 = tpu.vector_load %arg11[%swap3A_154] {strides = array<i32>} : memref<16xi32, #tpu.memory_space<vmem>>, vector<16xi32>,
      tpu.vector_store %arg11[%swap3A_154], %add3A_153 {strides = array<i32>} : memref<16xi32, #tpu.memory_space<vmem>>, vector<16xi32>,
      %mul3A_156 = arith.constant 4 : i32
      %mul3A_157 = arith.muli %while3A_56, %mul3A_156 : i32
      %add3A_158 = arith.constant 2 : i32
      %add3A_159 = arith.addi %mul3A_157, %add3A_158 : i32
      %mul3A_160 = arith.constant 16 : i32
      %mul3A_161 = arith.muli %add3A_159, %mul3A_160 : i32
      %get3A_162 = arith.index_cast %mul3A_161 : i32 to index
      %get3A_163 = tpu.vector_load %arg7[%get3A_162] {strides = array<i32>} : memref<2048xi32, #tpu.memory_space<vmem>>, vector<16xi32>,
      %get3A_164 = arith.index_cast %mul3A_161 : i32 to index
      %get3A_165 = tpu.vector_load %arg8[%get3A_164] {strides = array<i32>} : memref<2048xi32, #tpu.memory_space<vmem>>, vector<16xi32>,
      %swap3A_166 = arith.constant 0 : index
      %swap3A_167 = tpu.vector_load %arg13[%swap3A_166] {strides = array<i32>} : memref<16xi32, #tpu.memory_space<vmem>>, vector<16xi32>,
      tpu.vector_store %arg13[%swap3A_166], %broadcast_in_dim3A_1 {strides = array<i32>} : memref<16xi32, #tpu.memory_space<vmem>>, vector<16xi32>,
      tpu.vector_store_idx %arg13[%get3A_163], %get3A_165 {add = true} : memref<16xi32, #tpu.memory_space<vmem>>[vector<16xi32>], vector<16xi32>,
      %get3A_168 = arith.constant 0 : index
      %get3A_169 = tpu.vector_load %arg13[%get3A_168] {strides = array<i32>} : memref<16xi32, #tpu.memory_space<vmem>>, vector<16xi32>,
      %broadcast_in_dim3A_170 = arith.constant true
      %broadcast_in_dim3A_171 = vector.broadcast %broadcast_in_dim3A_170 : i1 to vector<16xi1>
      %masked_cumsum3A_172 = tpu.scan <sum>, %get3A_169 masked %broadcast_in_dim3A_171 : vector<16xi32>, vector<16xi1> -> vector<16xi32>
      %sub3A_173 = arith.subi %masked_cumsum3A_172, %get3A_169 : vector<16xi32>
      %swap3A_174 = arith.constant 0 : index
      %swap3A_175 = tpu.vector_load %arg14[%swap3A_174] {strides = array<i32>} : memref<16xi32, #tpu.memory_space<vmem>>, vector<16xi32>,
      tpu.vector_store %arg14[%swap3A_174], %sub3A_173 {strides = array<i32>} : memref<16xi32, #tpu.memory_space<vmem>>, vector<16xi32>,
      %gather3A_176 = tpu.vector_load_idx %arg14[%get3A_163] : memref<16xi32, #tpu.memory_space<vmem>>[vector<16xi32>], vector<16xi32>,
      %broadcast_in_dim3A_177 = arith.constant true
      %broadcast_in_dim3A_178 = vector.broadcast %broadcast_in_dim3A_177 : i1 to vector<16xi1>
      %masked_cumsum3A_179 = tpu.scan <sum>, %get3A_165 masked %broadcast_in_dim3A_178 : vector<16xi32>, vector<16xi1> -> vector<16xi32>
      %sub3A_180 = arith.subi %masked_cumsum3A_179, %get3A_165 : vector<16xi32>
      %gather3A_181 = tpu.vector_load_idx %arg11[%get3A_163] : memref<16xi32, #tpu.memory_space<vmem>>[vector<16xi32>], vector<16xi32>,
      %add3A_182 = arith.addi %gather3A_181, %sub3A_180 : vector<16xi32>
      %sub3A_183 = arith.subi %add3A_182, %gather3A_176 : vector<16xi32>
      %gt3A_184 = arith.constant 0 : i32
      %gt3A_185 = vector.broadcast %gt3A_184 : i32 to vector<16xi32>
      %gt3A_186 = arith.cmpi sgt, %get3A_165, %gt3A_185 : vector<16xi32>
      %lt3A_187 = arith.constant 8 : i32
      %lt3A_188 = vector.broadcast %lt3A_187 : i32 to vector<16xi32>
      %lt3A_189 = arith.cmpi slt, %sub3A_183, %lt3A_188 : vector<16xi32>
      %and3A_190 = arith.andi %gt3A_186, %lt3A_189 : vector<16xi1>
      %mul3A_191 = arith.constant 8 : i32
      %mul3A_192 = vector.broadcast %mul3A_191 : i32 to vector<16xi32>
      %mul3A_193 = arith.muli %get3A_163, %mul3A_192 : vector<16xi32>
      %add3A_194 = arith.addi %mul3A_193, %sub3A_183 : vector<16xi32>
      %jit3A_195 = arith.constant 0 : i32
      %broadcast_in_dim3A_196 = vector.broadcast %jit3A_195 : i32 to vector<16xi32>
      %select_n3A_197 = arith.select %and3A_190, %add3A_194, %broadcast_in_dim3A_196 : vector<16xi1>, vector<16xi32>
      %add3A_198 = arith.addi %mul3A_0, %mul3A_161 : i32
      %add3A_199 = vector.broadcast %add3A_198 : i32 to vector<16xi32>
      %add3A_200 = arith.addi %add3A_199, %iota3A : vector<16xi32>
      %add3A_201 = arith.constant 1 : i32
      %add3A_202 = vector.broadcast %add3A_201 : i32 to vector<16xi32>
      %add3A_203 = arith.addi %add3A_200, %add3A_202 : vector<16xi32>
      tpu.vector_store_idx %arg15[%select_n3A_197], %add3A_203 masked %and3A_190 : memref<128xi32, #tpu.memory_space<vmem>>[vector<16xi32>], vector<16xi32>, vector<16xi1>
      %get3A_204 = arith.constant 0 : index
      %get3A_205 = tpu.vector_load %arg11[%get3A_204] {strides = array<i32>} : memref<16xi32, #tpu.memory_space<vmem>>, vector<16xi32>,
      %add3A_206 = arith.addi %get3A_205, %get3A_169 : vector<16xi32>
      %swap3A_207 = arith.constant 0 : index
      %swap3A_208 = tpu.vector_load %arg11[%swap3A_207] {strides = array<i32>} : memref<16xi32, #tpu.memory_space<vmem>>, vector<16xi32>,
      tpu.vector_store %arg11[%swap3A_207], %add3A_206 {strides = array<i32>} : memref<16xi32, #tpu.memory_space<vmem>>, vector<16xi32>,
      %mul3A_209 = arith.constant 4 : i32
      %mul3A_210 = arith.muli %while3A_56, %mul3A_209 : i32
      %add3A_211 = arith.constant 3 : i32
      %add3A_212 = arith.addi %mul3A_210, %add3A_211 : i32
      %mul3A_213 = arith.constant 16 : i32
      %mul3A_214 = arith.muli %add3A_212, %mul3A_213 : i32
      %get3A_215 = arith.index_cast %mul3A_214 : i32 to index
      %get3A_216 = tpu.vector_load %arg7[%get3A_215] {strides = array<i32>} : memref<2048xi32, #tpu.memory_space<vmem>>, vector<16xi32>,
      %get3A_217 = arith.index_cast %mul3A_214 : i32 to index
      %get3A_218 = tpu.vector_load %arg8[%get3A_217] {strides = array<i32>} : memref<2048xi32, #tpu.memory_space<vmem>>, vector<16xi32>,
      %swap3A_219 = arith.constant 0 : index
      %swap3A_220 = tpu.vector_load %arg13[%swap3A_219] {strides = array<i32>} : memref<16xi32, #tpu.memory_space<vmem>>, vector<16xi32>,
      tpu.vector_store %arg13[%swap3A_219], %broadcast_in_dim3A_1 {strides = array<i32>} : memref<16xi32, #tpu.memory_space<vmem>>, vector<16xi32>,
      tpu.vector_store_idx %arg13[%get3A_216], %get3A_218 {add = true} : memref<16xi32, #tpu.memory_space<vmem>>[vector<16xi32>], vector<16xi32>,
      %get3A_221 = arith.constant 0 : index
      %get3A_222 = tpu.vector_load %arg13[%get3A_221] {strides = array<i32>} : memref<16xi32, #tpu.memory_space<vmem>>, vector<16xi32>,
      %broadcast_in_dim3A_223 = arith.constant true
      %broadcast_in_dim3A_224 = vector.broadcast %broadcast_in_dim3A_223 : i1 to vector<16xi1>
      %masked_cumsum3A_225 = tpu.scan <sum>, %get3A_222 masked %broadcast_in_dim3A_224 : vector<16xi32>, vector<16xi1> -> vector<16xi32>
      %sub3A_226 = arith.subi %masked_cumsum3A_225, %get3A_222 : vector<16xi32>
      %swap3A_227 = arith.constant 0 : index
      %swap3A_228 = tpu.vector_load %arg14[%swap3A_227] {strides = array<i32>} : memref<16xi32, #tpu.memory_space<vmem>>, vector<16xi32>,
      tpu.vector_store %arg14[%swap3A_227], %sub3A_226 {strides = array<i32>} : memref<16xi32, #tpu.memory_space<vmem>>, vector<16xi32>,
      %gather3A_229 = tpu.vector_load_idx %arg14[%get3A_216] : memref<16xi32, #tpu.memory_space<vmem>>[vector<16xi32>], vector<16xi32>,
      %broadcast_in_dim3A_230 = arith.constant true
      %broadcast_in_dim3A_231 = vector.broadcast %broadcast_in_dim3A_230 : i1 to vector<16xi1>
      %masked_cumsum3A_232 = tpu.scan <sum>, %get3A_218 masked %broadcast_in_dim3A_231 : vector<16xi32>, vector<16xi1> -> vector<16xi32>
      %sub3A_233 = arith.subi %masked_cumsum3A_232, %get3A_218 : vector<16xi32>
      %gather3A_234 = tpu.vector_load_idx %arg11[%get3A_216] : memref<16xi32, #tpu.memory_space<vmem>>[vector<16xi32>], vector<16xi32>,
      %add3A_235 = arith.addi %gather3A_234, %sub3A_233 : vector<16xi32>
      %sub3A_236 = arith.subi %add3A_235, %gather3A_229 : vector<16xi32>
      %gt3A_237 = arith.constant 0 : i32
      %gt3A_238 = vector.broadcast %gt3A_237 : i32 to vector<16xi32>
      %gt3A_239 = arith.cmpi sgt, %get3A_218, %gt3A_238 : vector<16xi32>
      %lt3A_240 = arith.constant 8 : i32
      %lt3A_241 = vector.broadcast %lt3A_240 : i32 to vector<16xi32>
      %lt3A_242 = arith.cmpi slt, %sub3A_236, %lt3A_241 : vector<16xi32>
      %and3A_243 = arith.andi %gt3A_239, %lt3A_242 : vector<16xi1>
      %mul3A_244 = arith.constant 8 : i32
      %mul3A_245 = vector.broadcast %mul3A_244 : i32 to vector<16xi32>
      %mul3A_246 = arith.muli %get3A_216, %mul3A_245 : vector<16xi32>
      %add3A_247 = arith.addi %mul3A_246, %sub3A_236 : vector<16xi32>
      %jit3A_248 = arith.constant 0 : i32
      %broadcast_in_dim3A_249 = vector.broadcast %jit3A_248 : i32 to vector<16xi32>
      %select_n3A_250 = arith.select %and3A_243, %add3A_247, %broadcast_in_dim3A_249 : vector<16xi1>, vector<16xi32>
      %add3A_251 = arith.addi %mul3A_0, %mul3A_214 : i32
      %add3A_252 = vector.broadcast %add3A_251 : i32 to vector<16xi32>
      %add3A_253 = arith.addi %add3A_252, %iota3A : vector<16xi32>
      %add3A_254 = arith.constant 1 : i32
      %add3A_255 = vector.broadcast %add3A_254 : i32 to vector<16xi32>
      %add3A_256 = arith.addi %add3A_253, %add3A_255 : vector<16xi32>
      tpu.vector_store_idx %arg15[%select_n3A_250], %add3A_256 masked %and3A_243 : memref<128xi32, #tpu.memory_space<vmem>>[vector<16xi32>], vector<16xi32>, vector<16xi1>
      %get3A_257 = arith.constant 0 : index
      %get3A_258 = tpu.vector_load %arg11[%get3A_257] {strides = array<i32>} : memref<16xi32, #tpu.memory_space<vmem>>, vector<16xi32>,
      %add3A_259 = arith.addi %get3A_258, %get3A_222 : vector<16xi32>
      %swap3A_260 = arith.constant 0 : index
      %swap3A_261 = tpu.vector_load %arg11[%swap3A_260] {strides = array<i32>} : memref<16xi32, #tpu.memory_space<vmem>>, vector<16xi32>,
      tpu.vector_store %arg11[%swap3A_260], %add3A_259 {strides = array<i32>} : memref<16xi32, #tpu.memory_space<vmem>>, vector<16xi32>,
      %add3A_262 = arith.constant 1 : i32
      %add3A_263 = arith.addi %while3A_56, %add3A_262 : i32
      %mul3A_264 = arith.constant 4 : i32
      %mul3A_265 = arith.muli %add3A_263, %mul3A_264 : i32
      %sub3A_266 = arith.constant 1 : i32
      %sub3A_267 = arith.subi %mul3A_265, %sub3A_266 : i32
      %mul3A_268 = arith.constant 16 : i32
      %mul3A_269 = arith.muli %sub3A_267, %mul3A_268 : i32
      %get3A_270 = arith.index_cast %mul3A_269 : i32 to index
      %get3A_271 = tpu.vector_load %arg7[%get3A_270] {strides = array<i32>} : memref<2048xi32, #tpu.memory_space<vmem>>, vector<16xi32>,
      %reduce_max3A_272 = arith.constant true
      %reduce_max3A_273 = vector.broadcast %reduce_max3A_272 : i1 to vector<16xi1>
      %reduce_max3A_274 = arith.constant -2147483648 : i32
      %reduce_max3A_275 = vector.broadcast %reduce_max3A_274 : i32 to vector<16xi32>
      %reduce_max3A_276 = arith.xori %get3A_271, %reduce_max3A_275 : vector<16xi32>
      %reduce_max3A_277 = tpu.scan <max>, %reduce_max3A_276 masked %reduce_max3A_273 : vector<16xi32>, vector<16xi1> -> vector<16xi32>
      %reduce_max3A_278 = arith.xori %reduce_max3A_277, %reduce_max3A_275 : vector<16xi32>
      %reduce_max3A_279 = vector.extract %reduce_max3A_278[15] : i32 from vector<16xi32>
      %get3A_280 = arith.constant 0 : index
      %get3A_281 = tpu.vector_load %arg11[%get3A_280] {strides = array<i32>} : memref<16xi32, #tpu.memory_space<vmem>>, vector<16xi32>,
      %ge3A = arith.constant 8 : i32
      %ge3A_282 = vector.broadcast %ge3A : i32 to vector<16xi32>
      %ge3A_283 = arith.cmpi sge, %get3A_281, %ge3A_282 : vector<16xi32>
      %get3A_284 = arith.constant 0 : index
      %get3A_285 = tpu.vector_load %arg11[%get3A_284] {strides = array<i32>} : memref<16xi32, #tpu.memory_space<vmem>>, vector<16xi32>,
      %get3A_286 = arith.constant 0 : index
      %get3A_287 = tpu.vector_load %arg12[%get3A_286] {strides = array<i32>} : memref<16xi32, #tpu.memory_space<vmem>>, vector<16xi32>,
      %sub3A_288 = arith.subi %get3A_285, %get3A_287 : vector<16xi32>
      %get3A_289 = arith.constant 0 : index
      %get3A_290 = tpu.vector_load %arg9[%get3A_289] {strides = array<i32>} : memref<16xi32, #tpu.memory_space<vmem>>, vector<16xi32>,
      %ge3A_291 = arith.cmpi sge, %sub3A_288, %get3A_290 : vector<16xi32>
      %or3A = arith.ori %ge3A_283, %ge3A_291 : vector<16xi1>
      %eq3A = vector.broadcast %reduce_max3A_279 : i32 to vector<16xi32>
      %eq3A_292 = arith.cmpi eq, %iota3A, %eq3A : vector<16xi32>
      %convert_element_type3A_293 = arith.extui %or3A : vector<16xi1> to vector<16xi32>
      %jit3A_294 = arith.constant 1 : i32
      %broadcast_in_dim3A_295 = vector.broadcast %jit3A_294 : i32 to vector<16xi32>
      %select_n3A_296 = arith.select %eq3A_292, %convert_element_type3A_293, %broadcast_in_dim3A_295 : vector<16xi1>, vector<16xi32>
      %reduce_min3A = arith.constant true
      %reduce_min3A_297 = vector.broadcast %reduce_min3A : i1 to vector<16xi1>
      %reduce_min3A_298 = arith.constant -2147483648 : i32
      %reduce_min3A_299 = vector.broadcast %reduce_min3A_298 : i32 to vector<16xi32>
      %reduce_min3A_300 = arith.xori %select_n3A_296, %reduce_min3A_299 : vector<16xi32>
      %reduce_min3A_301 = tpu.scan <min>, %reduce_min3A_300 masked %reduce_min3A_297 : vector<16xi32>, vector<16xi1> -> vector<16xi32>
      %reduce_min3A_302 = arith.xori %reduce_min3A_301, %reduce_min3A_299 : vector<16xi32>
      %reduce_min3A_303 = vector.extract %reduce_min3A_302[15] : i32 from vector<16xi32>
      %ge3A_304 = arith.constant 1 : i32
      %ge3A_305 = arith.cmpi sge, %reduce_min3A_303, %ge3A_304 : i32
      %ge3A_306 = arith.cmpi sge, %reduce_max3A_279, %reduce_max3A_15 : i32
      %and3A_307 = arith.andi %ge3A_305, %ge3A_306 : i1
      %not3A = arith.constant true
      %not3A_308 = arith.xori %ge3A_306, %not3A : i1
      %and3A_309 = arith.andi %ge3A_305, %not3A_308 : i1
      %add3A_310 = arith.constant 1 : i32
      %add3A_311 = arith.addi %while3A_56, %add3A_310 : i32
      %scan3A = arith.constant 32 : i32
      %scan3A_312 = arith.constant 0 : i32
      %scan3A_313 = arith.constant 5 : i32
      %scan3A_314 = arith.addi %scan3A_312, %scan3A_313 : i32
      %scan3A_315 = arith.constant 1 : i32
      %scan3A_316:2 = scf.for %scan3A_322 = %scan3A_312 to %scan3A_314 step %scan3A_315 iter_args(%scan3A_323 = %add3A_311, %scan3A_324 = %scan3A) -> (i32, i32)  : i32 {
        %add3A_325 = arith.addi %scan3A_323, %scan3A_324 : i32
        %jit3A_326 = arith.constant 2 : i32
        %div3A = arith.divsi %add3A_325, %jit3A_326 : i32
        %sign3A = arith.constant 0 : i32
        %sign3A_327 = arith.cmpi sgt, %add3A_325, %sign3A : i32
        %sign3A_328 = arith.extui %sign3A_327 : i1 to i32
        %sign3A_329 = arith.constant 0 : i32
        %sign3A_330 = arith.cmpi slt, %add3A_325, %sign3A_329 : i32
        %sign3A_331 = arith.extui %sign3A_330 : i1 to i32
        %sign3A_332 = arith.subi %sign3A_328, %sign3A_331 : i32
        %sign3A_333 = arith.constant 0 : i32
        %sign3A_334 = arith.cmpi sgt, %jit3A_326, %sign3A_333 : i32
        %sign3A_335 = arith.extui %sign3A_334 : i1 to i32
        %sign3A_336 = arith.constant 0 : i32
        %sign3A_337 = arith.cmpi slt, %jit3A_326, %sign3A_336 : i32
        %sign3A_338 = arith.extui %sign3A_337 : i1 to i32
        %sign3A_339 = arith.subi %sign3A_335, %sign3A_338 : i32
        %ne3A = arith.cmpi ne, %sign3A_332, %sign3A_339 : i32
        %rem3A = arith.remsi %add3A_325, %jit3A_326 : i32
        %ne3A_340 = arith.constant 0 : i32
        %ne3A_341 = arith.cmpi ne, %rem3A, %ne3A_340 : i32
        %and3A_342 = arith.andi %ne3A, %ne3A_341 : i1
        %sub3A_343 = arith.constant 1 : i32
        %sub3A_344 = arith.subi %div3A, %sub3A_343 : i32
        %select_n3A_345 = arith.select %and3A_342, %sub3A_344, %div3A : i32
        %min3A = arith.constant 31 : i32
        %min3A_346 = arith.minsi %select_n3A_345, %min3A : i32
        %add3A_347 = arith.constant 1 : i32
        %add3A_348 = arith.addi %min3A_346, %add3A_347 : i32
        %mul3A_349 = arith.constant 4 : i32
        %mul3A_350 = arith.muli %add3A_348, %mul3A_349 : i32
        %sub3A_351 = arith.constant 1 : i32
        %sub3A_352 = arith.subi %mul3A_350, %sub3A_351 : i32
        %mul3A_353 = arith.constant 16 : i32
        %mul3A_354 = arith.muli %sub3A_352, %mul3A_353 : i32
        %get3A_355 = arith.index_cast %mul3A_354 : i32 to index
        %get3A_356 = tpu.vector_load %arg7[%get3A_355] {strides = array<i32>} : memref<2048xi32, #tpu.memory_space<vmem>>, vector<16xi32>,
        %reduce_max3A_357 = arith.constant true
        %reduce_max3A_358 = vector.broadcast %reduce_max3A_357 : i1 to vector<16xi1>
        %reduce_max3A_359 = arith.constant -2147483648 : i32
        %reduce_max3A_360 = vector.broadcast %reduce_max3A_359 : i32 to vector<16xi32>
        %reduce_max3A_361 = arith.xori %get3A_356, %reduce_max3A_360 : vector<16xi32>
        %reduce_max3A_362 = tpu.scan <max>, %reduce_max3A_361 masked %reduce_max3A_358 : vector<16xi32>, vector<16xi1> -> vector<16xi32>
        %reduce_max3A_363 = arith.xori %reduce_max3A_362, %reduce_max3A_360 : vector<16xi32>
        %reduce_max3A_364 = vector.extract %reduce_max3A_363[15] : i32 from vector<16xi32>
        %gt3A_365 = arith.cmpi sgt, %reduce_max3A_364, %reduce_max3A_279 : i32
        %add3A_366 = arith.constant 1 : i32
        %add3A_367 = arith.addi %min3A_346, %add3A_366 : i32
        %select_n3A_368 = arith.select %gt3A_365, %scan3A_323, %add3A_367 : i32
        %select_n3A_369 = arith.select %gt3A_365, %min3A_346, %scan3A_324 : i32
        scf.yield %select_n3A_368, %select_n3A_369 : i32, i32
      }
      %scan3A_317 = arith.constant 5 : i32
      %add3A_318 = arith.constant 1 : i32
      %add3A_319 = arith.addi %while3A_56, %add3A_318 : i32
      %select_n3A_320 = arith.select %and3A_309, %scan3A_316#0, %add3A_319 : i32
      %convert_element_type3A_321 = arith.extui %and3A_307 : i1 to i32
      scf.yield %select_n3A_320, %convert_element_type3A_321 : i32, i32
    }
    "tpu.region"() ({
      %run_scoped3A = tpu.sem_alloc : memref<!tpu.dma_semaphore, #tpu.memory_space<semaphore_mem>>
      %dma_start3A_56 = arith.constant 0 : i32
      %dma_start3A_57 = tpu.memref_slice %arg22[%arg1, %dma_start3A_56] : memref<16x128xi32, #tpu.memory_space<vmem_shared>> -> memref<1x128xi32, #tpu.memory_space<vmem_shared>>
      %dma_start3A_58 = tpu.memref_squeeze %dma_start3A_57 : memref<1x128xi32, #tpu.memory_space<vmem_shared>> -> memref<128xi32, #tpu.memory_space<vmem_shared>>
      %dma_start3A_59 = arith.constant 0 : i32
      %dma_start3A_60 = tpu.memref_slice %arg22[%arg1, %dma_start3A_59] : memref<16x128xi32, #tpu.memory_space<vmem_shared>> -> memref<1x128xi32, #tpu.memory_space<vmem_shared>>
      %dma_start3A_61 = tpu.memref_squeeze %dma_start3A_60 : memref<1x128xi32, #tpu.memory_space<vmem_shared>> -> memref<128xi32, #tpu.memory_space<vmem_shared>>
      tpu.enqueue_dma source(%arg15 : memref<128xi32, #tpu.memory_space<vmem>>) target(%dma_start3A_61 : memref<128xi32, #tpu.memory_space<vmem_shared>>) target_semaphore(%run_scoped3A : memref<!tpu.dma_semaphore, #tpu.memory_space<semaphore_mem>>)
      %dma_wait3A_62 = arith.constant 0 : i32
      %dma_wait3A_63 = tpu.memref_slice %arg22[%arg1, %dma_wait3A_62] : memref<16x128xi32, #tpu.memory_space<vmem_shared>> -> memref<1x128xi32, #tpu.memory_space<vmem_shared>>
      %dma_wait3A_64 = tpu.memref_squeeze %dma_wait3A_63 : memref<1x128xi32, #tpu.memory_space<vmem_shared>> -> memref<128xi32, #tpu.memory_space<vmem_shared>>
      %dma_wait3A_65 = arith.constant 0 : i32
      %dma_wait3A_66 = tpu.memref_slice %arg22[%arg1, %dma_wait3A_65] : memref<16x128xi32, #tpu.memory_space<vmem_shared>> -> memref<1x128xi32, #tpu.memory_space<vmem_shared>>
      %dma_wait3A_67 = tpu.memref_squeeze %dma_wait3A_66 : memref<1x128xi32, #tpu.memory_space<vmem_shared>> -> memref<128xi32, #tpu.memory_space<vmem_shared>>
      tpu.wait_dma2 semaphore(%run_scoped3A : memref<!tpu.dma_semaphore, #tpu.memory_space<semaphore_mem>>) src(%arg15 : memref<128xi32, #tpu.memory_space<vmem>>) dst(%dma_wait3A_67 : memref<128xi32, #tpu.memory_space<vmem_shared>>)
      tpu.yield
    }) : () -> ()
    %barrier3A_53 = arith.constant 0 : index
    tpu.barrier barrier_id(%barrier3A_53)
    %lt3A = arith.constant 4 : i32
    %lt3A_54 = arith.cmpi slt, %arg1, %lt3A : i32
    %convert_element_type3A = arith.extui %lt3A_54 : i1 to i32
    %cond3A = arith.constant 0 : i32
    %cond3A_55 = arith.cmpi ne, %convert_element_type3A, %cond3A : i32
    scf.if %cond3A_55 {
      %mul3A_56 = arith.constant 4 : i32
      %mul3A_57 = arith.muli %arg0, %mul3A_56 : i32
      %add3A = arith.addi %mul3A_57, %arg1 : i32
      "tpu.region"() ({
        %run_scoped3A = tpu.sem_alloc : memref<!tpu.dma_semaphore, #tpu.memory_space<semaphore_mem>>
        tpu.enqueue_dma source(%arg22 : memref<16x128xi32, #tpu.memory_space<vmem_shared>>) target(%arg16 : memref<16x128xi32, #tpu.memory_space<vmem>>) target_semaphore(%run_scoped3A : memref<!tpu.dma_semaphore, #tpu.memory_space<semaphore_mem>>)
        tpu.wait_dma2 semaphore(%run_scoped3A : memref<!tpu.dma_semaphore, #tpu.memory_space<semaphore_mem>>) src(%arg22 : memref<16x128xi32, #tpu.memory_space<vmem_shared>>) dst(%arg16 : memref<16x128xi32, #tpu.memory_space<vmem>>)
        tpu.yield
      }) : () -> ()
      %scan3A = arith.constant 0 : i32
      %scan3A_58 = arith.constant 16 : i32
      %scan3A_59 = arith.addi %scan3A, %scan3A_58 : i32
      %scan3A_60 = arith.constant 1 : i32
      %scan3A_61 = scf.for %scan3A_143 = %scan3A to %scan3A_59 step %scan3A_60 iter_args(%scan3A_144 = %broadcast_in_dim3A_1) -> (vector<16xi32>)  : i32 {
        %get3A_145 = arith.index_cast %scan3A_143 : i32 to index
        %get3A_146 = arith.constant 0 : index
        %get3A_147 = tpu.vector_load %arg16[%get3A_145, %get3A_146] {strides = array<i32>} : memref<16x128xi32, #tpu.memory_space<vmem>>, vector<16xi32>,
        %add3A_148 = arith.addi %scan3A_144, %get3A_147 : vector<16xi32>
        scf.yield %add3A_148 : vector<16xi32>
      }
      %scan3A_62 = arith.constant 16 : i32
      %swap3A_63 = arith.constant 0 : index
      %swap3A_64 = tpu.vector_load %arg17[%swap3A_63] {strides = array<i32>} : memref<128xi32, #tpu.memory_space<vmem>>, vector<16xi32>,
      tpu.vector_store %arg17[%swap3A_63], %scan3A_61 {strides = array<i32>} : memref<128xi32, #tpu.memory_space<vmem>>, vector<16xi32>,
      %scan3A_65 = arith.constant 0 : i32
      %scan3A_66 = arith.constant 16 : i32
      %scan3A_67 = arith.addi %scan3A_65, %scan3A_66 : i32
      %scan3A_68 = arith.constant 1 : i32
      %scan3A_69 = scf.for %scan3A_143 = %scan3A_65 to %scan3A_67 step %scan3A_68 iter_args(%scan3A_144 = %broadcast_in_dim3A_1) -> (vector<16xi32>)  : i32 {
        %get3A_145 = arith.index_cast %scan3A_143 : i32 to index
        %get3A_146 = arith.constant 16 : index
        %get3A_147 = tpu.vector_load %arg16[%get3A_145, %get3A_146] {strides = array<i32>} : memref<16x128xi32, #tpu.memory_space<vmem>>, vector<16xi32>,
        %add3A_148 = arith.addi %scan3A_144, %get3A_147 : vector<16xi32>
        scf.yield %add3A_148 : vector<16xi32>
      }
      %scan3A_70 = arith.constant 16 : i32
      %swap3A_71 = arith.constant 16 : index
      %swap3A_72 = tpu.vector_load %arg17[%swap3A_71] {strides = array<i32>} : memref<128xi32, #tpu.memory_space<vmem>>, vector<16xi32>,
      tpu.vector_store %arg17[%swap3A_71], %scan3A_69 {strides = array<i32>} : memref<128xi32, #tpu.memory_space<vmem>>, vector<16xi32>,
      %scan3A_73 = arith.constant 0 : i32
      %scan3A_74 = arith.constant 16 : i32
      %scan3A_75 = arith.addi %scan3A_73, %scan3A_74 : i32
      %scan3A_76 = arith.constant 1 : i32
      %scan3A_77 = scf.for %scan3A_143 = %scan3A_73 to %scan3A_75 step %scan3A_76 iter_args(%scan3A_144 = %broadcast_in_dim3A_1) -> (vector<16xi32>)  : i32 {
        %get3A_145 = arith.index_cast %scan3A_143 : i32 to index
        %get3A_146 = arith.constant 32 : index
        %get3A_147 = tpu.vector_load %arg16[%get3A_145, %get3A_146] {strides = array<i32>} : memref<16x128xi32, #tpu.memory_space<vmem>>, vector<16xi32>,
        %add3A_148 = arith.addi %scan3A_144, %get3A_147 : vector<16xi32>
        scf.yield %add3A_148 : vector<16xi32>
      }
      %scan3A_78 = arith.constant 16 : i32
      %swap3A_79 = arith.constant 32 : index
      %swap3A_80 = tpu.vector_load %arg17[%swap3A_79] {strides = array<i32>} : memref<128xi32, #tpu.memory_space<vmem>>, vector<16xi32>,
      tpu.vector_store %arg17[%swap3A_79], %scan3A_77 {strides = array<i32>} : memref<128xi32, #tpu.memory_space<vmem>>, vector<16xi32>,
      %scan3A_81 = arith.constant 0 : i32
      %scan3A_82 = arith.constant 16 : i32
      %scan3A_83 = arith.addi %scan3A_81, %scan3A_82 : i32
      %scan3A_84 = arith.constant 1 : i32
      %scan3A_85 = scf.for %scan3A_143 = %scan3A_81 to %scan3A_83 step %scan3A_84 iter_args(%scan3A_144 = %broadcast_in_dim3A_1) -> (vector<16xi32>)  : i32 {
        %get3A_145 = arith.index_cast %scan3A_143 : i32 to index
        %get3A_146 = arith.constant 48 : index
        %get3A_147 = tpu.vector_load %arg16[%get3A_145, %get3A_146] {strides = array<i32>} : memref<16x128xi32, #tpu.memory_space<vmem>>, vector<16xi32>,
        %add3A_148 = arith.addi %scan3A_144, %get3A_147 : vector<16xi32>
        scf.yield %add3A_148 : vector<16xi32>
      }
      %scan3A_86 = arith.constant 16 : i32
      %swap3A_87 = arith.constant 48 : index
      %swap3A_88 = tpu.vector_load %arg17[%swap3A_87] {strides = array<i32>} : memref<128xi32, #tpu.memory_space<vmem>>, vector<16xi32>,
      tpu.vector_store %arg17[%swap3A_87], %scan3A_85 {strides = array<i32>} : memref<128xi32, #tpu.memory_space<vmem>>, vector<16xi32>,
      %scan3A_89 = arith.constant 0 : i32
      %scan3A_90 = arith.constant 16 : i32
      %scan3A_91 = arith.addi %scan3A_89, %scan3A_90 : i32
      %scan3A_92 = arith.constant 1 : i32
      %scan3A_93 = scf.for %scan3A_143 = %scan3A_89 to %scan3A_91 step %scan3A_92 iter_args(%scan3A_144 = %broadcast_in_dim3A_1) -> (vector<16xi32>)  : i32 {
        %get3A_145 = arith.index_cast %scan3A_143 : i32 to index
        %get3A_146 = arith.constant 64 : index
        %get3A_147 = tpu.vector_load %arg16[%get3A_145, %get3A_146] {strides = array<i32>} : memref<16x128xi32, #tpu.memory_space<vmem>>, vector<16xi32>,
        %add3A_148 = arith.addi %scan3A_144, %get3A_147 : vector<16xi32>
        scf.yield %add3A_148 : vector<16xi32>
      }
      %scan3A_94 = arith.constant 16 : i32
      %swap3A_95 = arith.constant 64 : index
      %swap3A_96 = tpu.vector_load %arg17[%swap3A_95] {strides = array<i32>} : memref<128xi32, #tpu.memory_space<vmem>>, vector<16xi32>,
      tpu.vector_store %arg17[%swap3A_95], %scan3A_93 {strides = array<i32>} : memref<128xi32, #tpu.memory_space<vmem>>, vector<16xi32>,
      %scan3A_97 = arith.constant 0 : i32
      %scan3A_98 = arith.constant 16 : i32
      %scan3A_99 = arith.addi %scan3A_97, %scan3A_98 : i32
      %scan3A_100 = arith.constant 1 : i32
      %scan3A_101 = scf.for %scan3A_143 = %scan3A_97 to %scan3A_99 step %scan3A_100 iter_args(%scan3A_144 = %broadcast_in_dim3A_1) -> (vector<16xi32>)  : i32 {
        %get3A_145 = arith.index_cast %scan3A_143 : i32 to index
        %get3A_146 = arith.constant 80 : index
        %get3A_147 = tpu.vector_load %arg16[%get3A_145, %get3A_146] {strides = array<i32>} : memref<16x128xi32, #tpu.memory_space<vmem>>, vector<16xi32>,
        %add3A_148 = arith.addi %scan3A_144, %get3A_147 : vector<16xi32>
        scf.yield %add3A_148 : vector<16xi32>
      }
      %scan3A_102 = arith.constant 16 : i32
      %swap3A_103 = arith.constant 80 : index
      %swap3A_104 = tpu.vector_load %arg17[%swap3A_103] {strides = array<i32>} : memref<128xi32, #tpu.memory_space<vmem>>, vector<16xi32>,
      tpu.vector_store %arg17[%swap3A_103], %scan3A_101 {strides = array<i32>} : memref<128xi32, #tpu.memory_space<vmem>>, vector<16xi32>,
      %scan3A_105 = arith.constant 0 : i32
      %scan3A_106 = arith.constant 16 : i32
      %scan3A_107 = arith.addi %scan3A_105, %scan3A_106 : i32
      %scan3A_108 = arith.constant 1 : i32
      %scan3A_109 = scf.for %scan3A_143 = %scan3A_105 to %scan3A_107 step %scan3A_108 iter_args(%scan3A_144 = %broadcast_in_dim3A_1) -> (vector<16xi32>)  : i32 {
        %get3A_145 = arith.index_cast %scan3A_143 : i32 to index
        %get3A_146 = arith.constant 96 : index
        %get3A_147 = tpu.vector_load %arg16[%get3A_145, %get3A_146] {strides = array<i32>} : memref<16x128xi32, #tpu.memory_space<vmem>>, vector<16xi32>,
        %add3A_148 = arith.addi %scan3A_144, %get3A_147 : vector<16xi32>
        scf.yield %add3A_148 : vector<16xi32>
      }
      %scan3A_110 = arith.constant 16 : i32
      %swap3A_111 = arith.constant 96 : index
      %swap3A_112 = tpu.vector_load %arg17[%swap3A_111] {strides = array<i32>} : memref<128xi32, #tpu.memory_space<vmem>>, vector<16xi32>,
      tpu.vector_store %arg17[%swap3A_111], %scan3A_109 {strides = array<i32>} : memref<128xi32, #tpu.memory_space<vmem>>, vector<16xi32>,
      %scan3A_113 = arith.constant 0 : i32
      %scan3A_114 = arith.constant 16 : i32
      %scan3A_115 = arith.addi %scan3A_113, %scan3A_114 : i32
      %scan3A_116 = arith.constant 1 : i32
      %scan3A_117 = scf.for %scan3A_143 = %scan3A_113 to %scan3A_115 step %scan3A_116 iter_args(%scan3A_144 = %broadcast_in_dim3A_1) -> (vector<16xi32>)  : i32 {
        %get3A_145 = arith.index_cast %scan3A_143 : i32 to index
        %get3A_146 = arith.constant 112 : index
        %get3A_147 = tpu.vector_load %arg16[%get3A_145, %get3A_146] {strides = array<i32>} : memref<16x128xi32, #tpu.memory_space<vmem>>, vector<16xi32>,
        %add3A_148 = arith.addi %scan3A_144, %get3A_147 : vector<16xi32>
        scf.yield %add3A_148 : vector<16xi32>
      }
      %scan3A_118 = arith.constant 16 : i32
      %swap3A_119 = arith.constant 112 : index
      %swap3A_120 = tpu.vector_load %arg17[%swap3A_119] {strides = array<i32>} : memref<128xi32, #tpu.memory_space<vmem>>, vector<16xi32>,
      tpu.vector_store %arg17[%swap3A_119], %scan3A_117 {strides = array<i32>} : memref<128xi32, #tpu.memory_space<vmem>>, vector<16xi32>,
      %mul3A_121 = arith.constant 16 : i32
      %mul3A_122 = arith.muli %add3A, %mul3A_121 : i32
      %get3A_123 = arith.index_cast %mul3A_122 : i32 to index
      %get3A_124 = tpu.vector_load %arg17[%get3A_123] {strides = array<i32>} : memref<128xi32, #tpu.memory_space<vmem>>, vector<16xi32>,
      %sub3A = arith.constant 1 : i32
      %sub3A_125 = vector.broadcast %sub3A : i32 to vector<16xi32>
      %sub3A_126 = arith.subi %get3A_124, %sub3A_125 : vector<16xi32>
      %max3A = arith.constant 0 : i32
      %max3A_127 = vector.broadcast %max3A : i32 to vector<16xi32>
      %max3A_128 = arith.maxsi %sub3A_126, %max3A_127 : vector<16xi32>
      %swap3A_129 = arith.constant 0 : index
      %swap3A_130 = tpu.vector_load %arg19[%swap3A_129] {strides = array<i32>} : memref<16xi32, #tpu.memory_space<vmem>>, vector<16xi32>,
      tpu.vector_store %arg19[%swap3A_129], %max3A_128 {strides = array<i32>} : memref<16xi32, #tpu.memory_space<vmem>>, vector<16xi32>,
      %dma_start3A_131 = arith.constant 0 : i32
      %dma_start3A_132 = arith.constant 0 : i32
      %dma_start3A_133 = tpu.memref_slice %arg4[%dma_start3A_131, %dma_start3A_132] : memref<32768x512xf32, #tpu.memory_space<hbm>> -> memref<32768x512xf32, #tpu.memory_space<hbm>>
      tpu.enqueue_indirect_dma source(%dma_start3A_133 : memref<32768x512xf32, #tpu.memory_space<hbm>>) target(%arg20 : memref<16x512xf32, #tpu.memory_space<vmem>>) offsets(%arg19 : memref<16xi32, #tpu.memory_space<vmem>>) semaphore(%arg23 : memref<!tpu.dma_semaphore, #tpu.memory_space<semaphore_mem>>)
      %swap3A_134 = arith.constant 0 : index
      %swap3A_135 = tpu.vector_load %arg18[%swap3A_134] {strides = array<i32>} : memref<16xi32, #tpu.memory_space<vmem>>, vector<16xi32>,
      tpu.vector_store %arg18[%swap3A_134], %get3A_124 {strides = array<i32>} : memref<16xi32, #tpu.memory_space<vmem>>, vector<16xi32>,
      %mul3A_136 = arith.constant 16 : i32
      %mul3A_137 = arith.muli %add3A, %mul3A_136 : i32
      "tpu.region"() ({
        %run_scoped3A = tpu.sem_alloc : memref<!tpu.dma_semaphore, #tpu.memory_space<semaphore_mem>>
        %dma_start3A_143 = tpu.memref_slice %arg5[%mul3A_137] : memref<128xi32, #tpu.memory_space<hbm>> -> memref<16xi32, #tpu.memory_space<hbm>>
        %dma_start3A_144 = tpu.memref_slice %arg5[%mul3A_137] : memref<128xi32, #tpu.memory_space<hbm>> -> memref<16xi32, #tpu.memory_space<hbm>>
        tpu.enqueue_dma source(%arg18 : memref<16xi32, #tpu.memory_space<vmem>>) target(%dma_start3A_144 : memref<16xi32, #tpu.memory_space<hbm>>) target_semaphore(%run_scoped3A : memref<!tpu.dma_semaphore, #tpu.memory_space<semaphore_mem>>)
        %dma_wait3A_145 = tpu.memref_slice %arg5[%mul3A_137] : memref<128xi32, #tpu.memory_space<hbm>> -> memref<16xi32, #tpu.memory_space<hbm>>
        %dma_wait3A_146 = tpu.memref_slice %arg5[%mul3A_137] : memref<128xi32, #tpu.memory_space<hbm>> -> memref<16xi32, #tpu.memory_space<hbm>>
        tpu.wait_dma2 semaphore(%run_scoped3A : memref<!tpu.dma_semaphore, #tpu.memory_space<semaphore_mem>>) src(%arg18 : memref<16xi32, #tpu.memory_space<vmem>>) dst(%dma_wait3A_146 : memref<16xi32, #tpu.memory_space<hbm>>)
        tpu.yield
      }) : () -> ()
      %dma_wait3A_138 = arith.constant 0 : i32
      %dma_wait3A_139 = arith.constant 0 : i32
      %dma_wait3A_140 = tpu.memref_slice %arg4[%dma_wait3A_138, %dma_wait3A_139] : memref<32768x512xf32, #tpu.memory_space<hbm>> -> memref<32768x512xf32, #tpu.memory_space<hbm>>
      tpu.wait_indirect_dma semaphore(%arg23 : memref<!tpu.dma_semaphore, #tpu.memory_space<semaphore_mem>>) src(%dma_wait3A_140 : memref<32768x512xf32, #tpu.memory_space<hbm>>) dst(%arg20 : memref<16x512xf32, #tpu.memory_space<vmem>>)
      %mul3A_141 = arith.constant 16 : i32
      %mul3A_142 = arith.muli %add3A, %mul3A_141 : i32
      "tpu.region"() ({
        %run_scoped3A = tpu.sem_alloc : memref<!tpu.dma_semaphore, #tpu.memory_space<semaphore_mem>>
        %dma_start3A_143 = arith.constant 0 : i32
        %dma_start3A_144 = tpu.memref_slice %arg6[%mul3A_142, %dma_start3A_143] : memref<128x512xf32, #tpu.memory_space<hbm>> -> memref<16x512xf32, #tpu.memory_space<hbm>>
        %dma_start3A_145 = arith.constant 0 : i32
        %dma_start3A_146 = tpu.memref_slice %arg6[%mul3A_142, %dma_start3A_145] : memref<128x512xf32, #tpu.memory_space<hbm>> -> memref<16x512xf32, #tpu.memory_space<hbm>>
        tpu.enqueue_dma source(%arg20 : memref<16x512xf32, #tpu.memory_space<vmem>>) target(%dma_start3A_146 : memref<16x512xf32, #tpu.memory_space<hbm>>) target_semaphore(%run_scoped3A : memref<!tpu.dma_semaphore, #tpu.memory_space<semaphore_mem>>)
        %dma_wait3A_147 = arith.constant 0 : i32
        %dma_wait3A_148 = tpu.memref_slice %arg6[%mul3A_142, %dma_wait3A_147] : memref<128x512xf32, #tpu.memory_space<hbm>> -> memref<16x512xf32, #tpu.memory_space<hbm>>
        %dma_wait3A_149 = arith.constant 0 : i32
        %dma_wait3A_150 = tpu.memref_slice %arg6[%mul3A_142, %dma_wait3A_149] : memref<128x512xf32, #tpu.memory_space<hbm>> -> memref<16x512xf32, #tpu.memory_space<hbm>>
        tpu.wait_dma2 semaphore(%run_scoped3A : memref<!tpu.dma_semaphore, #tpu.memory_space<semaphore_mem>>) src(%arg20 : memref<16x512xf32, #tpu.memory_space<vmem>>) dst(%dma_wait3A_150 : memref<16x512xf32, #tpu.memory_space<hbm>>)
        tpu.yield
      }) : () -> ()
    } else {
    }
    return
  }
}

</mosaic_0001>

<sc_bundles>
// kernel: _sc_call.3.cloned.1.call-start
scs
__scs_entry_jumppad:
0x0: {  	(pc) =	sbr.rel $0x88, $3  }
0x1: {  	(tag) =	ssettag $0x0;
	lr =	simm.s32 $0x1  }
0x2: {  	[smem:$0x3F9E] =	sst lr;
	_ =	strace $0xD0000000  }
0x3: {  	_ = 	snop  }
0x4: {  	_ = 	snop  }
0x5: {  	_ = 	snop  }
0x6: {  	_ = 	snop  }
0x7: {  	_ = 	snop  }
__scs_overlays_trampoline_lowered:
0x8: {  	[smem:$0x3FAD] =	sst s0  }
0x9: {  	[smem:$0x3FAE] =	sst s1  }
0xa: {  	[smem:$0x3FAF] =	sst s2  }
0xb: {  	[smem:$0x3FB0] =	sst s3  }
0xc: {  	[smem:$0x3FB1] =	sst s4  }
0xd: {  	[smem:$0x3FB2] =	sst s5  }
0xe: {  	[smem:$0x3FB3] =	sst s6  }
0xf: {  	[smem:$0x3FB4] =	sst s7  }
0x10: {  	[smem:$0x3FB5] =	sst s8  }
0x11: {  	[smem:$0x3FB6] =	sst s9;
	s0 =	simm.s32 @!p0 $0x0  }
0x12: {  	s1 =	sld [smem:$0x3F9C];
	s0 =	simm.s32 @p0 $0x1  }
0x13: {  	[smem:$0x3FB7] =	sst s0;
	s0 =	simm.s32 @!p1 $0x0  }
0x14: {  	s2 =	sld [smem:$0x3F9B];
	s0 =	simm.s32 @p1 $0x1  }
0x15: {  	[smem:$0x3FB8] =	sst s0;
	s0 =	simm.s32 @!p2 $0x0  }
0x16: {  	s3 =	sld [smem:$0x3FDB];
	s0 =	simm.s32 @p2 $0x1  }
0x17: {  	s4 =	simm.s32 $0x1BF5;
	[smem:$0x3FBA] =	sst s0  }
0x18: {  	s0 =	sld [smem:$0x3F9D];
	_ =	swait.ge [sflag:s4], $0x0  }
0x19: {  	s7 =	sld [smem:$0x3F9E]  }
0x1a: {  	s8 =	sadd.s32 $0xFFFFE003, lr  }
0x1b: {  	s9 =	sadd.s32 $0xFFFFFEF7, lr;
	s5 =	simm.s32 $0xFFFFFFFF;
	p2 =	slt.u32 s8, $0xFFFFF086  }
0x1c: {  	p1 =	slt.u32 s9, $0xF7A;
	s5 =	simm.s32 @!p2 $0x0  }
0x1d: {  	s5 =	simm.s32 @p1 $0x1;
	p0 =	seq.s32 s7, s2  }
0x1e: {  	s7 =	smul.u32 @!p0 $0xF7A, s2;
	p2 =	seq.s32 @!p0 s5, $0x0  }
0x1f: {  	s9 =	smul.u32 $0xF7A, s1;
	s8 =	simm.s32 @!p0 $0x1BF5;
	p2 =	por !p2, p0  }
0x20: {  	[sflag:s8] =	ssyncset.s32 @!p0 $0xFFFFF086;
	s6 =	sadd.s32 @!p0 s3, s7;
	s7 =	simm.s32 @!p0 $0x108  }
0x21: {  	s3 =	sadd.s32 s3, s9;
	s6 =	sadd.s32 @!p0 $0x88, s6;
	s7 =	simm.s32 @p2 $0x1082  }
0x22: {  	[simem:s7], [sflag:s8] =	dma.local @!p0 [hbm:s6], $0xF7A  }
0x23: {  	s9 =	sor.u32 $0xD0000000, s2;
	s6 =	simm.s32 $0x108;
	_ =	swait.ge @!p0 [sflag:s8], $0x0  }
0x24: {  	s3 =	sadd.s32 $0x88, s3;
	s6 =	simm.s32 @!p1 $0x1082;
	[sflag:s4] =	ssyncset.s32 $0xFFFFF086  }
0x25: {  	[simem:s6], [sflag:s4] =	dma.local [hbm:s3], $0xF7A  }
0x26: {  	[smem:$0x3F9E] =	sst s1;
	(tag) =	ssettag s2;
	_ =	strace s9  }
0x27: {  	s1 =	sld [smem:$0x3FAE]  }
0x28: {  	s2 =	sld [smem:$0x3FAF]  }
0x29: {  	s4 =	sld [smem:$0x3FB1]  }
0x2a: {  	p0 =	seq.s32 s5, $0x0;
	s5 =	sld [smem:$0x3FB2]  }
0x2b: {  	s6 =	sld [smem:$0x3FB3]  }
0x2c: {  	s7 =	sld [smem:$0x3FB4]  }
0x2d: {  	s3 =	simm.s32 $0x108;
	s8 =	sld [smem:$0x3FB5]  }
0x2e: {  	s3 =	simm.s32 @!p0 $0x1082;
	s9 =	sld [smem:$0x3FB6]  }
0x2f: {  	lr =	sadd.s32 s0, s3;
	s0 =	sld [smem:$0x3FAD]  }
0x30: {  	s3 =	sld [smem:$0x3FB0]  }
0x31: {  	[smem:$0x3FB9] =	sst s10  }
0x32: {  	s10 =	sld [smem:$0x3FB7];
	_ =	sdelay $0x3  }
0x33: {  	p0 =	seq.s32 s10, $0x1;
	s10 =	sld [smem:$0x3FB9];
	_ =	sdelay $0x3  }
0x34: {  	[smem:$0x3FB9] =	sst s10  }
0x35: {  	s10 =	sld [smem:$0x3FB8];
	_ =	sdelay $0x3  }
0x36: {  	p1 =	seq.s32 s10, $0x1;
	s10 =	sld [smem:$0x3FB9];
	_ =	sdelay $0x3  }
0x37: {  	[smem:$0x3FB9] =	sst s10  }
0x38: {  	s10 =	sld [smem:$0x3FBA]  }
0x39: {  	_ = 	snop;
	(pc) =	sbr.ind lr, $3  }
0x3a: {  	_ = 	snop  }
0x3b: {  	_ = 	snop  }
0x3c: {  	p2 =	seq.s32 s10, $0x1;
	s10 =	sld [smem:$0x3FB9]  }
0x3d: {  	_ =	shalt  }
0x3e: {  	_ =	shalt  }
0x3f: {  	_ =	shalt  }
0x40: {  	_ =	shalt  }
0x41: {  	_ =	shalt  }
0x42: {  	_ =	shalt  }
0x43: {  	_ =	shalt  }
0x44: {  	_ =	shalt  }
0x45: {  	_ =	shalt  }
0x46: {  	_ =	shalt  }
0x47: {  	_ =	shalt  }
0x48: {  	_ =	shalt  }
0x49: {  	_ =	shalt  }
0x4a: {  	_ =	shalt  }
0x4b: {  	_ =	shalt  }
0x4c: {  	_ =	shalt  }
0x4d: {  	_ =	shalt  }
0x4e: {  	_ =	shalt  }
0x4f: {  	_ =	shalt  }
0x50: {  	_ =	shalt  }
0x51: {  	_ =	shalt  }
0x52: {  	_ =	shalt  }
0x53: {  	_ =	shalt  }
0x54: {  	_ =	shalt  }
0x55: {  	_ =	shalt  }
0x56: {  	_ =	shalt  }
0x57: {  	_ =	shalt  }
0x58: {  	_ =	shalt  }
0x59: {  	_ =	shalt  }
0x5a: {  	_ =	shalt  }
0x5b: {  	_ =	shalt  }
0x5c: {  	_ =	shalt  }
0x5d: {  	_ =	shalt  }
0x5e: {  	_ =	shalt  }
0x5f: {  	_ =	shalt  }
0x60: {  	_ =	shalt  }
0x61: {  	_ =	shalt  }
0x62: {  	_ =	shalt  }
0x63: {  	_ =	shalt  }
0x64: {  	_ =	shalt  }
0x65: {  	_ =	shalt  }
0x66: {  	_ =	shalt  }
0x67: {  	_ =	shalt  }
0x68: {  	_ =	shalt  }
0x69: {  	_ =	shalt  }
0x6a: {  	_ =	shalt  }
0x6b: {  	_ =	shalt  }
0x6c: {  	_ =	shalt  }
0x6d: {  	_ =	shalt  }
0x6e: {  	_ =	shalt  }
0x6f: {  	_ =	shalt  }
0x70: {  	_ =	shalt  }
0x71: {  	_ =	shalt  }
0x72: {  	_ =	shalt  }
0x73: {  	_ =	shalt  }
0x74: {  	_ =	shalt  }
0x75: {  	_ =	shalt  }
0x76: {  	_ =	shalt  }
0x77: {  	_ =	shalt  }
0x78: {  	_ =	shalt  }
0x79: {  	_ =	shalt  }
0x7a: {  	_ =	shalt  }
0x7b: {  	_ =	shalt  }
0x7c: {  	_ =	shalt  }
0x7d: {  	_ =	shalt  }
0x7e: {  	_ =	shalt  }
0x7f: {  	_ =	shalt  }
0x80: {  	_ =	shalt  }
0x81: {  	_ =	shalt  }
0x82: {  	_ =	shalt  }
0x83: {  	_ =	shalt  }
0x84: {  	_ =	shalt  }
0x85: {  	_ =	shalt  }
0x86: {  	_ =	shalt  }
0x87: {  	_ =	shalt  }
.Lfunc_end0:
.L_simem_size_0:
called_computation_lowered:
.L_overlay_start_0:
0x88: {  	s2 =	sld [smem:$0x3FD9]  }
0x89: {  	s3 =	sld [smem:$0x3FFE];
	_ =	sdelay $0x1  }
0x8a: {  	s1 =	srdreg.scid  }
0x8b: {  	s0 =	sand.u32 $0x1, s1  }
0x8c: {  	s15 =	sshll.u32 s0, $0xA;
	s2 =	sadd.s32 s3, s2  }
0x8d: {  	s2 =	sadd.s32 s2, s15  }
0x8e: {  	[smem:$0x3FC5] =	sst s2  }
0x8f: {  	_ = 	snop  }
0x90: {  	s2 =	sld [smem:$0x3FD0]  }
0x91: {  	s16 =	sld [smem:$0x3FC9]  }
0x92: {  	s4 =	sld [smem:$0x3FC8]  }
0x93: {  	s6 =	simm.s32 $0xA;
	s7 =	simm.s32 $0x10;
	s5 =	sld [smem:$0x3FC7]  }
0x94: {  	[smem:s7], [sflag:s6] =	dma.local [hbm:s2], $0x1  }
0x95: {  	_ =	swait.eq [sflag:s6], $0x1  }
0x96: {  	[sflag:s6] =	ssyncset.done $0x0  }
0x97: {  	s17 =	sld [smem:$0x10];
	[sflag:s6] =	ssyncadd.s32 $0xFFFFFFFF  }
0x98: {  	s18 =	sld [smem:$0x11];
	(tm) =	ssettm $0x1  }
0x99: {  	s19 =	sld [smem:$0x3FFB];
	_ =	sdelay $0x3  }
0x9a: {  	_ =	strace s19  }
0x9b: {  	s7 =	sld [smem:$0x3FFC];
	_ =	sdelay $0x3  }
0x9c: {  	_ =	strace s7  }
0x9d: {  	s7 =	sld [smem:$0x3FFD];
	_ =	sdelay $0x3  }
0x9e: {  	_ =	strace s7  }
0x9f: {  	_ =	strace $0x8FFFFFFF  }
0xa0: {  	s20 =	sld [smem:$0x3FDB];
	_ =	sdelay $0x1  }
0xa1: {  	s8 =	simm.s32 $_scs_section_size  }
0xa2: {  	s9 =	simm.s32 $_size__tile_overlayer_lowered;
	s10 =	simm.s32 $_tile_overlayer_lowered  }
0xa3: {  	s23 =	simm.s32 $0x1BFF;
	s22 =	sshll.u32 s10, $0x1;
	s7 =	sadd.s32 s8, s20  }
0xa4: {  	s11 =	simm.s32 $0x0;
	s21 =	sshll.u32 s9, $0x1;
	s9 =	sadd.s32 s22, s7  }
0xa5: {  	[timem:s11], [sflag:s23] =	dma.local [hbm:s9], s21  }
0xa6: {  	_ =	swait.ge [sflag:s23], s21  }
0xa7: {  	s8 =	ssub.s32 $0x0, s21;
	[sflag:s23] =	ssyncset.done $0x0  }
0xa8: {  	[sflag:s23] =	ssyncadd.s32 s8;
	_ =	sdelay $0x1  }
0xa9: {  	s24 =	simm.s32 $0x1B8B  }
0xaa: {  	_ =	swait.ge [sflag:s24], $0x1  }
0xab: {  	[sflag:s24] =	ssyncset.done $0x0  }
0xac: {  	s25 =	simm.s32 $0x1B8E;
	[sflag:s24] =	ssyncadd.s32 $0xFFFFFFFF  }
0xad: {  	s26 =	simm.s32 $execute0_lowered;
	[smem:$0x3FD2] =	sst s25  }
0xae: {  	s8 =	sshll.u32 s26, $0x1;
	_ =	strace $0x80000046;
	[dreg:$0x1] =	wrdreg $0xFFFFFFFF  }
0xaf: {  	s28 =	simm.s32 $_size_execute0_lowered;
	s7 =	sadd.s32 s7, s8;
	[dreg:$0x0] =	wrdreg $0x0  }
0xb0: {  	s8 =	sshll.u32 s28, $0x1;
	[dreg:$0x2] =	wrdreg s7  }
0xb1: {  	[dreg:$0x3] =	wrdreg s8  }
0xb2: {  	[dreg:$0x4] =	wrdreg $0xC0  }
0xb3: {  	_ =	task [dreg:s11], $0x5FFFF  }
0xb4: {  	[dreg:$0x1] =	wrdreg $0xFFFFFFFF  }
0xb5: {  	[dreg:$0x0] =	wrdreg $0x60  }
0xb6: {  	[dreg:$0x2] =	wrdreg s16  }
0xb7: {  	[dreg:$0x3] =	wrdreg s4  }
0xb8: {  	[dreg:$0x4] =	wrdreg s5  }
0xb9: {  	[dreg:$0x5] =	wrdreg s17  }
0xba: {  	[dreg:$0x6] =	wrdreg s18  }
0xbb: {  	[dreg:$0x7] =	wrdreg $0x44800  }
0xbc: {  	[dreg:$0x8] =	wrdreg $0x44900  }
0xbd: {  	[dreg:$0x9] =	wrdreg $0x9  }
0xbe: {  	_ =	task.clear_ibuf [dreg:s11], $0xAFFFF;
	_ =	strace $0x90000046  }
0xbf: {  	s29 =	simm.s32 $0x9;
	_ =	strace $0x80000048  }
0xc0: {  	_ =	swait.ge [sflag:s29], $0x1  }
0xc1: {  	[sflag:s29] =	ssyncadd.s32 $0xFFFFFFFF  }
0xc2: {  	_ =	strace $0x90000048  }
0xc3: {  	_ =	sfence  }
0xc4: {  	s30 =	sld [smem:$0x0];
	_ =	sdelay $0x2  }
0xc5: {  	s31 =	sshll.u32 s1, $0xD;
	s1 =	sshrl.u32 s1, $0x2  }
0xc6: {  	s3 =	sand.u32 $0x4000, s31;
	s1 =	sadd.s32 s1, s30  }
0xc7: {  	s0 =	sor.u32 s3, s0;
	s1 =	sshll.u32 s1, $0x11  }
0xc8: {  	s0 =	sor.u32 s1, s0  }
0xc9: {  	s0 =	sadd.s32 $0x8F2B, s0  }
0xca: {  	[sflag:s0] =	ssyncadd.remote.s32 $0x1  }
0xcb: {  	_ =	sfence.sel $0xFFFF  }
0xcc: {  	[dreg:$0x0] =	wrdreg $0xFFFFFFFF;
	(pc) =	sbr.abs _section_cstart, $3  }
0xcd: {  	[dreg:$0x1] =	wrdreg $0xFFFFFFFF  }
0xce: {  	_ =	task.clear_ibuf [dreg:s11], $0x2FFFF;
	_ =	strace $0x9FFFFFFF  }
0xcf: {  	(tm) =	ssettm $0x7FFFFFFF  }
tec
execute0_lowered:
.L_overlay_start_1:
0x0: {  	(tag) =	ssettag $0x1  }
0x1: {  	s0 =	rddreg [dreg:$0x0]  }
0x2: {  	s1 =	rddreg [dreg:$0x1]  }
0x3: {  	s2 =	rddreg [dreg:$0x2]  }
0x4: {  	s3 =	rddreg [dreg:$0x3]  }
0x5: {  	s14 =	rddreg [dreg:$0x4]  }
0x6: {  	s12 =	rddreg [dreg:$0x5]  }
0x7: {  	s13 =	rddreg [dreg:$0x6];
	s4 =	srdreg.scid;
	s5 =	simm.s32 $0x0  }
0x8: {  	s16 =	simm.s32 $0x800;
	s17 =	simm.s32 $0x1;
	s18 =	simm.s32 $0x1000  }
0x9: {  	s19 =	simm.s32 $0x2;
	s20 =	simm.s32 $0x1980;
	s21 =	simm.s32 $0x1A00  }
0xa: {  	s22 =	simm.s32 $0x1880;
	s23 =	simm.s32 $0x1A80;
	s25 =	simm.s32 $0x2480  }
0xb: {  	s31 =	simm.s32 $0x0;
	s8 =	sand.u32 $0x1, s4;
	[smem:$0x7FF] =	sst s5  }
0xc: {  	s4 =	stileid.u32;
	s6 =	ssub.s32 $0x2, s8;
	_ =	strace $0x80000047  }
0xd: {  	s9 =	sshll.u32 s4, $0x8;
	s28 =	sshll.u32 s4, $0x7;
	s10 =	sshll.u32 s8, $0x6  }
0xe: {  	v1 =	vlaneseq.u32;
	s11 =	sshll.u32 s4, $0x4;
	p0 =	seq.s32 s4, $0x0;
	p1 =	sgt.u32 s4, $0x3  }
.Ltmp0:
0xf: {  	v3 =	vand.u32 $0x7, v1;
	v4 =	vshrl.u32 v1, $0x3;
	s7 =	sshrl.u32 s6, $0x1;
	s8 =	sadd.s32 s0, s9;
	(pc) =	sbr.rel .LBB2_1-.Ltmp0, $4  }
0x10: {  	[tilespmem:$0x1FFD0] =	vst v3;
	v3 =	vmul.u32 $0x8, v4;
	s10 =	sadd.s32 s11, s10;
	s11 =	sadd.s32 s28, s13;
	s15 =	ssub.s32 s6, s7  }
0x11: {  	s6 =	sshll.u32 s4, $0xB;
	s7 =	sadd.s32 s1, s9;
	s9 =	sadd.s32 s28, s12  }
0x12: {  	s29 =	sshrl.u32 s10, $0x3;
	s30 =	sshll.u32 s10, $0x6;
	s12 =	sadd.s32 $0x100, s2;
	[tilespmem:$0x1FFE0] =	vst v3;
	v3 =	vor.u32 $0x8, v1  }
0x13: {  	v0 =	vimm.s32 $0x0;
	vm0 =	vmmov $0xffff;
	v2 =	vadd.s32 $0x1, v1;
	s13 =	sadd.s32 s3, s29;
	s14 =	sadd.s32 s14, s30;
	s15 =	smax.u32 s15, $0x1;
	[tilespmem:$0x1FFF0] =	vst v3  }
.LBB2_15:
0x14: {  	s31 =	sadd.s32 $0x1, s31  }
0x15: {  	p2 =	sne.s32 s31, s15  }
.Ltmp1:
0x16: {  	_ = 	snop;
	(pc) =	sbr.rel @!p2 .LBB2_16-.Ltmp1, $1  }
0x17: {  	_ =	sdelay $0x3  }
.LBB2_1:
0x18: {  	[tilespmem:s5], [sflag:$0x1] =	stream.linear.gather [hbm4b:s7+s5], $0x800, $0x38;
	[tilespmem:$0x4510] =	vst v63  }
0x19: {  	_ = 	snop  }
0x1a: {  	[tilespmem:s16], [sflag:$0x1] =	stream.linear.gather [hbm4b:s8+s5], $0x800, $0x38;
	[tilespmem:$0x4510] =	vst v63  }
0x1b: {  	_ =	swait.ge [sflag:s17], $0x800  }
0x1c: {  	[sflag:s17] =	ssyncset.done $0x0  }
0x1d: {  	[sflag:s17] =	ssyncadd.s32 $0xFFFFF800  }
0x1e: {  	_ =	swait.ge [sflag:s17], $0x800  }
0x1f: {  	[sflag:s17] =	ssyncset.done $0x0  }
0x20: {  	[sflag:s17] =	ssyncadd.s32 $0xFFFFF800  }
0x21: {  	v6 =	vld [tilespmem:$0x7F0];
	_ =	sdelay $0x4  }
0x22: {  	v6 =	vxor.u32 $0x80000000, v6  }
0x23: {  	(xrf0) =	vmax.scan.msk.u32 $0xffff, v6;
	_ =	sdelay $0x5  }
0x24: {  	v6, _, _ =	vpop (xrf0)  }
0x25: {  	(v2sf) =	vpush v6, $0xF;
	_ =	sdelay $0xe  }
0x26: {  	s0 =	spop (v2sf)  }
0x27: {  	s24 =	simm.s32 $0x0;
	[tilespmem:$0x1000] =	vst v0;
	s0 =	sxor.u32 $0x80000000, s0  }
.LBB2_2:
0x28: {  	s1 =	sshll.u32 s24, $0x6  }
0x29: {  	v6 =	vld [tilespmem:s1+$0x0];
	_ =	sdelay $0x2  }
0x2a: {  	v7 =	vld [tilespmem:s1+$0x800];
	_ =	sdelay $0x4  }
0x2b: {  	[tilespmem:v6+s18+$0x0] =	vst.idx.add.s32.msk $0xffff, v7  }
0x2c: {  	v6 =	vld [tilespmem:s1+$0x10];
	_ =	sdelay $0x2  }
0x2d: {  	v7 =	vld [tilespmem:s1+$0x810];
	_ =	sdelay $0x4  }
0x2e: {  	[tilespmem:v6+s18+$0x0] =	vst.idx.add.s32.msk $0xffff, v7  }
0x2f: {  	v6 =	vld [tilespmem:s1+$0x20];
	_ =	sdelay $0x2  }
0x30: {  	v7 =	vld [tilespmem:s1+$0x820];
	_ =	sdelay $0x4  }
0x31: {  	[tilespmem:v6+s18+$0x0] =	vst.idx.add.s32.msk $0xffff, v7  }
0x32: {  	v6 =	vld [tilespmem:s1+$0x30];
	_ =	sdelay $0x2  }
0x33: {  	v7 =	vld [tilespmem:s1+$0x830];
	_ =	sdelay $0x2  }
0x34: {  	s24 =	sadd.s32 $0x1, s24  }
0x35: {  	s30 =	sshll.u32 s24, $0x8  }
0x36: {  	s1 =	sshra.s32 s30, $0x2;
	[tilespmem:v6+s18+$0x0] =	vst.idx.add.s32.msk $0xffff, v7  }
0x37: {  	v6 =	vld [tilespmem:s1+$0xFFFFFFF0];
	_ =	sdelay $0x4  }
0x38: {  	v6 =	vxor.u32 $0x80000000, v6  }
0x39: {  	(xrf0) =	vmax.scan.msk.u32 $0xffff, v6;
	_ =	sdelay $0x5  }
0x3a: {  	v6, _, _ =	vpop (xrf0)  }
0x3b: {  	(v2sf) =	vpush v6, $0xF;
	_ =	sdelay $0xd  }
0x3c: {  	s3 =	simm.s32 $0x20;
	s29 =	simm.s32 $0x4  }
0x3d: {  	s28 =	smov.u32 s24;
	s1 =	sadd.s32 $0x20, s24;
	v6 =	vld [tilespmem:$0x1000];
	s26 =	spop (v2sf)  }
.LBB2_3:
0x3e: {  	s30 =	smov.u32 s28  }
0x3f: {  	p2 =	sne.s32 s29, $0x1;
	s28 =	sand.u32 $0x1, s1  }
0x40: {  	p3 =	slt.s32 s1, $0x1;
	p4 =	seq.s32 s28, $0x1  }
0x41: {  	s28 =	sshrl.u32 s1, $0x1F;
	p3 =	por !p3, !p4  }
0x42: {  	s1 =	sadd.s32 s28, s1;
	s28 =	simm.s32 $0x1;
	p3 =	por !p3, !p3  }
0x43: {  	s1 =	sshra.s32 s1, $0x1;
	s28 =	simm.s32 @!p3 $0x0  }
0x44: {  	s1 =	ssub.s32 s1, s28  }
0x45: {  	p3 =	slt.s32 s1, $0x1F  }
0x46: {  	s1 =	simm.s32 @!p3 $0x1F  }
0x47: {  	s28 =	sadd.s32 $0x1, s1  }
0x48: {  	s2 =	sshll.u32 s28, $0x8  }
0x49: {  	s2 =	sshra.s32 s2, $0x2  }
0x4a: {  	v7 =	vld [tilespmem:s2+$0xFFFFFFF0];
	_ =	sdelay $0x4  }
0x4b: {  	v7 =	vxor.u32 $0x80000000, v7  }
0x4c: {  	(xrf0) =	vmax.scan.msk.u32 $0xffff, v7;
	_ =	sdelay $0x5  }
0x4d: {  	v7, _, _ =	vpop (xrf0)  }
0x4e: {  	(v2sf) =	vpush v7, $0xF;
	_ =	sdelay $0xd  }
.Ltmp2:
0x4f: {  	(pc) =	sbr.rel @p2 .LBB2_3-.Ltmp2, $4  }
0x50: {  	s2 =	spop (v2sf)  }
0x51: {  	p3 =	sgt.u32 s2, s26  }
0x52: {  	s28 =	smov.u32 @p3 s30;
	s3 =	smov.u32 @p3 s1  }
0x53: {  	s29 =	sadd.s32 $0xFFFFFFFF, s29;
	s1 =	sadd.s32 s28, s3  }
0x54: {  	s2 =	sand.u32 $0x1, s1  }
0x55: {  	p2 =	slt.s32 s1, $0x1;
	p3 =	seq.s32 s2, $0x1  }
0x56: {  	s30 =	sshrl.u32 s1, $0x1F;
	p2 =	por !p2, !p3  }
0x57: {  	s1 =	sadd.s32 s30, s1;
	s2 =	simm.s32 $0x1;
	p2 =	por !p2, !p2  }
0x58: {  	s1 =	sshra.s32 s1, $0x1;
	s2 =	simm.s32 @!p2 $0x0  }
0x59: {  	s1 =	ssub.s32 s1, s2  }
0x5a: {  	p2 =	slt.s32 s1, $0x1F  }
0x5b: {  	s1 =	simm.s32 @!p2 $0x1F  }
0x5c: {  	s1 =	sadd.s32 $0x1, s1  }
0x5d: {  	s3 =	sshll.u32 s1, $0x8  }
0x5e: {  	s2 =	sshra.s32 s3, $0x2  }
0x5f: {  	v7 =	vld [tilespmem:s2+$0xFFFFFFF0];
	_ =	sdelay $0x2  }
0x60: {  	s29 =	sxor.u32 $0x80000000, s26  }
0x61: {  	v8 =	vmov s29  }
0x62: {  	v6 =	vxor.u32 $0x80000000, v6;
	vm1 =	veq.s32 v8, v1;
	v7 =	vxor.u32 $0x80000000, v7  }
0x63: {  	v6 =	vnsel vm1, $0x800003E8, v6;
	(xrf0) =	vmax.scan.msk.u32 $0xffff, v7  }
0x64: {  	(xrf0) =	vmin.scan.msk.u32 $0xffff, v6;
	_ =	sdelay $0x4  }
0x65: {  	v62, _, _ =	vpop (xrf0)  }
0x66: {  	(v2sf) =	vpush v62, $0xF;
	v63, _, _ =	vpop (xrf0)  }
0x67: {  	(v2sf) =	vpush v63, $0xF;
	_ =	sdelay $0xd  }
0x68: {  	s3 =	spop (v2sf)  }
0x69: {  	p2 =	sgt.u32 s3, s26;
	s30 =	spop (v2sf)  }
0x6a: {  	s3 =	smov.u32 s24;
	s1 =	smov.u32 @p2 s28;
	p2 =	sgt.u32 s30, $0x80000007  }
0x6b: {  	p5 =	sge.s32 s29, s0;
	p4 =	slt.s32 s29, s0;
	s3 =	smov.u32 @p2 s1  }
0x6c: {  	p2 =	por !p5, !p2;
	s24 =	smov.u32 @p4 s3  }
0x6d: {  	p2 =	por !p2, !p2;
	p6 =	sgt.s32 s24, $0x1F  }
0x6e: {  	p2 =	por p6, p2  }
.Ltmp3:
0x6f: {  	_ = 	snop;
	(pc) =	sbr.rel @!p2 .LBB2_2-.Ltmp3, $1  }
0x70: {  	_ =	sdelay $0x3  }
0x71: {  	v6 =	vimm.s32 $0x0  }
0x72: {  	[tilespmem:$0x1A80] =	vst v6  }
0x73: {  	[tilespmem:$0x1A90] =	vst v6  }
0x74: {  	[tilespmem:$0x1AA0] =	vst v6  }
0x75: {  	[tilespmem:$0x1AB0] =	vst v6  }
0x76: {  	[tilespmem:$0x1AC0] =	vst v6  }
0x77: {  	[tilespmem:$0x1AD0] =	vst v6  }
0x78: {  	[tilespmem:$0x1AE0] =	vst v6  }
0x79: {  	[tilespmem:$0x1AF0] =	vst v6  }
0x7a: {  	[spmem:s9] =	stream.linear.scatter [tilespmem:s18], [sflag:$0x2], $0x80, $0x38;
	[tilespmem:$0x4510] =	vst v63  }
0x7b: {  	_ =	swait.ge [sflag:s19], $0x80  }
0x7c: {  	[sflag:s19] =	ssyncset.done $0x0  }
0x7d: {  	[sflag:s19] =	ssyncadd.s32 $0xFFFFFF80  }
0x7e: {  	[bflag:$0x0] =	sbarrier.arrive $0xFFFF  }
.Ltmp4:
0x7f: {  	s1 =	simm.s32 $0x1080;
	s2 =	rddreg [dreg:$0x5];
	(pc) =	sbr.rel @p0 .LBB2_9-.Ltmp4, $4  }
0x80: {  	[tilespmem:s1], [sflag:$0x2] =	stream.linear.gather [spmem:s2], $0x800, $0x38;
	[tilespmem:$0x4510] =	vst v63  }
0x81: {  	_ =	swait.ge [sflag:s19], $0x800  }
0x82: {  	[sflag:s19] =	ssyncset.done $0x0  }
0x83: {  	[sflag:s19] =	ssyncadd.s32 $0xFFFFF800  }
0x84: {  	p2 =	sne.s32 s4, $0x1  }
.Ltmp5:
0x85: {  	_ = 	snop;
	(pc) =	sbr.rel @!p2 .LBB2_8-.Ltmp5, $2  }
0x86: {  	_ =	sdelay $0x2  }
0x87: {  	s3 =	sadd.s32 $0xFFFFFFFF, s4;
	v7 =	vld [tilespmem:s1+$0x0]  }
.LBB2_7:
0x88: {  	p2 =	sne.s32 s3, $0x1  }
.Ltmp6:
0x89: {  	_ = 	snop;
	(pc) =	sbr.rel @p2 .LBB2_7-.Ltmp6, $3  }
0x8a: {  	_ =	sdelay $0x1  }
0x8b: {  	s3 =	sadd.s32 $0xFFFFFFFF, s3;
	s1 =	sadd.s32 $0x80, s1;
	v6 =	vadd.s32 v6, v7  }
0x8c: {  	v7 =	vld [tilespmem:s1+$0x0]  }
.LBB2_8:
0x8d: {  	_ =	sdelay $0x3  }
0x8e: {  	v6 =	vadd.s32 v6, v7  }
.LBB2_9:
0x8f: {  	[tilespmem:$0x1900] =	vst v6  }
0x90: {  	[tilespmem:$0x1880] =	vst v6;
	s28 =	simm.s32 $0x0  }
.LBB2_10:
0x91: {  	s26 =	sshll.u32 s28, $0x6  }
0x92: {  	v6 =	vld [tilespmem:s26+$0x0];
	_ =	sdelay $0x2  }
0x93: {  	v7 =	vld [tilespmem:s26+$0x800];
	_ =	sdelay $0x3  }
0x94: {  	[tilespmem:$0x1980] =	vst v0  }
0x95: {  	[tilespmem:v6+s20+$0x0] =	vst.idx.add.s32.msk $0xffff, v7  }
0x96: {  	v8 =	vld [tilespmem:$0x1980];
	_ =	sdelay $0x4  }
0x97: {  	(xrf0) =	vadd.scan.msk.s32 $0xffff, v8;
	_ =	sdelay $0x5  }
0x98: {  	v9, _, _ =	vpop (xrf0)  }
0x99: {  	v9 =	vsub.s32 v9, v8  }
0x9a: {  	(xrf0) =	vadd.scan.msk.s32 $0xffff, v7;
	[tilespmem:$0x1A00] =	vst v9  }
0x9b: {  	v9 =	vld.idx.msk [tilespmem:v6+s21+$0x0], $0xffff;
	_ =	sdelay $0x1  }
0x9c: {  	v10 =	vld.idx.msk [tilespmem:v6+s22+$0x0], $0xffff;
	_ =	sdelay $0x2  }
0x9d: {  	v11, _, _ =	vpop (xrf0);
	v9 =	vadd.s32 v9, v7  }
0x9e: {  	v9 =	vsub.s32 v11, v9  }
0x9f: {  	v9 =	vadd.s32 v10, v9  }
0xa0: {  	vm1 =	vgt.s32 v7, $0x0;
	v6 =	vshll.u32 v6, $0x3;
	vm2 =	vlt.s32 v9, $0x8  }
0xa1: {  	v6 =	vadd.s32 v6, v9;
	vm1 =	vmand vm1, vm2  }
0xa2: {  	v6 =	vnsel vm1, $0x0, v6;
	_ =	sdelay $0x2  }
0xa3: {  	s1 =	sadd.s32 s6, s26  }
0xa4: {  	v7 =	vor.u32 s1, v2  }
0xa5: {  	[tilespmem:v6+s23+$0x0] =	vst.idx.msk vm1, v7  }
0xa6: {  	v6 =	vld [tilespmem:$0x1880];
	_ =	sdelay $0x4  }
0xa7: {  	v6 =	vadd.s32 v8, v6  }
0xa8: {  	[tilespmem:$0x1880] =	vst v6  }
0xa9: {  	v6 =	vld [tilespmem:s26+$0x10];
	_ =	sdelay $0x2  }
0xaa: {  	v7 =	vld [tilespmem:s26+$0x810];
	_ =	sdelay $0x3  }
0xab: {  	[tilespmem:$0x1980] =	vst v0  }
0xac: {  	[tilespmem:v6+s20+$0x0] =	vst.idx.add.s32.msk $0xffff, v7  }
0xad: {  	v8 =	vld [tilespmem:$0x1980];
	_ =	sdelay $0x4  }
0xae: {  	(xrf0) =	vadd.scan.msk.s32 $0xffff, v8;
	_ =	sdelay $0x5  }
0xaf: {  	v9, _, _ =	vpop (xrf0)  }
0xb0: {  	v9 =	vsub.s32 v9, v8  }
0xb1: {  	(xrf0) =	vadd.scan.msk.s32 $0xffff, v7;
	[tilespmem:$0x1A00] =	vst v9  }
0xb2: {  	v9 =	vld.idx.msk [tilespmem:v6+s21+$0x0], $0xffff;
	_ =	sdelay $0x1  }
0xb3: {  	v10 =	vld.idx.msk [tilespmem:v6+s22+$0x0], $0xffff;
	_ =	sdelay $0x2  }
0xb4: {  	v11, _, _ =	vpop (xrf0);
	v9 =	vadd.s32 v9, v7  }
0xb5: {  	v9 =	vsub.s32 v11, v9  }
0xb6: {  	v9 =	vadd.s32 v10, v9  }
0xb7: {  	vm1 =	vgt.s32 v7, $0x0;
	v6 =	vshll.u32 v6, $0x3;
	vm2 =	vlt.s32 v9, $0x8  }
0xb8: {  	v6 =	vadd.s32 v6, v9;
	vm1 =	vmand vm1, vm2  }
0xb9: {  	v6 =	vnsel vm1, $0x0, v6;
	_ =	sdelay $0x1  }
0xba: {  	s3 =	sor.u32 $0x10, s26  }
0xbb: {  	s1 =	sadd.s32 s6, s3  }
0xbc: {  	v7 =	vadd.s32 s1, v2  }
0xbd: {  	[tilespmem:v6+s23+$0x0] =	vst.idx.msk vm1, v7  }
0xbe: {  	v6 =	vld [tilespmem:$0x1880];
	_ =	sdelay $0x4  }
0xbf: {  	v6 =	vadd.s32 v8, v6  }
0xc0: {  	[tilespmem:$0x1880] =	vst v6  }
0xc1: {  	v6 =	vld [tilespmem:s26+$0x20];
	_ =	sdelay $0x2  }
0xc2: {  	v7 =	vld [tilespmem:s26+$0x820];
	_ =	sdelay $0x3  }
0xc3: {  	[tilespmem:$0x1980] =	vst v0  }
0xc4: {  	[tilespmem:v6+s20+$0x0] =	vst.idx.add.s32.msk $0xffff, v7  }
0xc5: {  	v8 =	vld [tilespmem:$0x1980];
	_ =	sdelay $0x4  }
0xc6: {  	(xrf0) =	vadd.scan.msk.s32 $0xffff, v8;
	_ =	sdelay $0x5  }
0xc7: {  	v9, _, _ =	vpop (xrf0)  }
0xc8: {  	v9 =	vsub.s32 v9, v8  }
0xc9: {  	(xrf0) =	vadd.scan.msk.s32 $0xffff, v7;
	[tilespmem:$0x1A00] =	vst v9  }
0xca: {  	v9 =	vld.idx.msk [tilespmem:v6+s21+$0x0], $0xffff;
	_ =	sdelay $0x1  }
0xcb: {  	v10 =	vld.idx.msk [tilespmem:v6+s22+$0x0], $0xffff;
	_ =	sdelay $0x2  }
0xcc: {  	v11, _, _ =	vpop (xrf0);
	v9 =	vadd.s32 v9, v7  }
0xcd: {  	v9 =	vsub.s32 v11, v9  }
0xce: {  	v9 =	vadd.s32 v10, v9  }
0xcf: {  	vm1 =	vgt.s32 v7, $0x0;
	v6 =	vshll.u32 v6, $0x3;
	vm2 =	vlt.s32 v9, $0x8  }
0xd0: {  	v6 =	vadd.s32 v6, v9;
	vm1 =	vmand vm1, vm2  }
0xd1: {  	v6 =	vnsel vm1, $0x0, v6;
	_ =	sdelay $0x1  }
0xd2: {  	s24 =	sor.u32 $0x20, s26  }
0xd3: {  	s1 =	sadd.s32 s6, s24  }
0xd4: {  	v7 =	vor.u32 s1, v2  }
0xd5: {  	[tilespmem:v6+s23+$0x0] =	vst.idx.msk vm1, v7  }
0xd6: {  	v6 =	vld [tilespmem:$0x1880];
	_ =	sdelay $0x4  }
0xd7: {  	v6 =	vadd.s32 v8, v6  }
0xd8: {  	[tilespmem:$0x1880] =	vst v6  }
0xd9: {  	v6 =	vld [tilespmem:s26+$0x30];
	_ =	sdelay $0x2  }
0xda: {  	v7 =	vld [tilespmem:s26+$0x830];
	_ =	sdelay $0x3  }
0xdb: {  	[tilespmem:$0x1980] =	vst v0  }
0xdc: {  	[tilespmem:v6+s20+$0x0] =	vst.idx.add.s32.msk $0xffff, v7  }
0xdd: {  	v8 =	vld [tilespmem:$0x1980];
	_ =	sdelay $0x4  }
0xde: {  	(xrf0) =	vadd.scan.msk.s32 $0xffff, v8;
	_ =	sdelay $0x5  }
0xdf: {  	v9, _, _ =	vpop (xrf0)  }
0xe0: {  	v9 =	vsub.s32 v9, v8  }
0xe1: {  	(xrf0) =	vadd.scan.msk.s32 $0xffff, v7;
	[tilespmem:$0x1A00] =	vst v9  }
0xe2: {  	v9 =	vld.idx.msk [tilespmem:v6+s21+$0x0], $0xffff;
	_ =	sdelay $0x1  }
0xe3: {  	v10 =	vld.idx.msk [tilespmem:v6+s22+$0x0], $0xffff;
	_ =	sdelay $0x2  }
0xe4: {  	v11, _, _ =	vpop (xrf0);
	v9 =	vadd.s32 v9, v7  }
0xe5: {  	v9 =	vsub.s32 v11, v9  }
0xe6: {  	v9 =	vadd.s32 v10, v9  }
0xe7: {  	vm1 =	vgt.s32 v7, $0x0;
	v6 =	vshll.u32 v6, $0x3;
	vm2 =	vlt.s32 v9, $0x8  }
0xe8: {  	v6 =	vadd.s32 v6, v9;
	vm1 =	vmand vm1, vm2  }
0xe9: {  	v6 =	vnsel vm1, $0x0, v6;
	_ =	sdelay $0x1  }
0xea: {  	s26 =	sor.u32 $0x30, s26  }
0xeb: {  	s1 =	sadd.s32 s6, s26  }
0xec: {  	v7 =	vadd.s32 s1, v2  }
0xed: {  	[tilespmem:v6+s23+$0x0] =	vst.idx.msk vm1, v7  }
0xee: {  	v6 =	vld [tilespmem:$0x1880];
	_ =	sdelay $0x3  }
0xef: {  	s28 =	sadd.s32 $0x1, s28  }
0xf0: {  	s30 =	sshll.u32 s28, $0x8;
	v6 =	vadd.s32 v8, v6  }
0xf1: {  	s1 =	sshra.s32 s30, $0x2;
	[tilespmem:$0x1880] =	vst v6  }
0xf2: {  	v7 =	vld [tilespmem:s1+$0xFFFFFFF0];
	_ =	sdelay $0x4  }
0xf3: {  	v7 =	vxor.u32 $0x80000000, v7  }
0xf4: {  	(xrf0) =	vmax.scan.msk.u32 $0xffff, v7;
	_ =	sdelay $0x5  }
0xf5: {  	v7, _, _ =	vpop (xrf0)  }
0xf6: {  	(v2sf) =	vpush v7, $0xF;
	_ =	sdelay $0xd  }
0xf7: {  	s29 =	simm.s32 $0x4;
	s3 =	simm.s32 $0x20;
	v8 =	vld [tilespmem:$0x1000]  }
0xf8: {  	s24 =	smov.u32 s28;
	s1 =	sadd.s32 $0x20, s28;
	v7 =	vld [tilespmem:$0x1900];
	s26 =	spop (v2sf)  }
.LBB2_11:
0xf9: {  	s30 =	smov.u32 s24  }
0xfa: {  	p2 =	sne.s32 s29, $0x1;
	s2 =	sand.u32 $0x1, s1  }
0xfb: {  	p3 =	slt.s32 s1, $0x1;
	p4 =	seq.s32 s2, $0x1  }
0xfc: {  	s2 =	sshrl.u32 s1, $0x1F;
	p3 =	por !p3, !p4  }
0xfd: {  	s1 =	sadd.s32 s2, s1;
	s2 =	simm.s32 $0x1;
	p3 =	por !p3, !p3  }
0xfe: {  	s1 =	sshra.s32 s1, $0x1;
	s2 =	simm.s32 @!p3 $0x0  }
0xff: {  	s1 =	ssub.s32 s1, s2  }
0x100: {  	p3 =	slt.s32 s1, $0x1F  }
0x101: {  	s1 =	simm.s32 @!p3 $0x1F  }
0x102: {  	s24 =	sadd.s32 $0x1, s1  }
0x103: {  	s2 =	sshll.u32 s24, $0x8  }
0x104: {  	s2 =	sshra.s32 s2, $0x2  }
0x105: {  	v9 =	vld [tilespmem:s2+$0xFFFFFFF0];
	_ =	sdelay $0x4  }
0x106: {  	v9 =	vxor.u32 $0x80000000, v9  }
0x107: {  	(xrf0) =	vmax.scan.msk.u32 $0xffff, v9;
	_ =	sdelay $0x5  }
0x108: {  	v9, _, _ =	vpop (xrf0)  }
0x109: {  	(v2sf) =	vpush v9, $0xF;
	_ =	sdelay $0xd  }
.Ltmp7:
0x10a: {  	(pc) =	sbr.rel @p2 .LBB2_11-.Ltmp7, $4  }
0x10b: {  	s2 =	spop (v2sf)  }
0x10c: {  	p3 =	sgt.u32 s2, s26  }
0x10d: {  	s24 =	smov.u32 @p3 s30;
	s3 =	smov.u32 @p3 s1  }
0x10e: {  	s29 =	sadd.s32 $0xFFFFFFFF, s29;
	s1 =	sadd.s32 s24, s3  }
0x10f: {  	s2 =	sand.u32 $0x1, s1  }
0x110: {  	p2 =	slt.s32 s1, $0x1;
	p3 =	seq.s32 s2, $0x1  }
0x111: {  	s30 =	sshrl.u32 s1, $0x1F;
	p2 =	por !p2, !p3  }
0x112: {  	s1 =	sadd.s32 s30, s1;
	s2 =	simm.s32 $0x1;
	p2 =	por !p2, !p2  }
0x113: {  	s1 =	sshra.s32 s1, $0x1;
	s2 =	simm.s32 @!p2 $0x0  }
0x114: {  	s1 =	ssub.s32 s1, s2  }
0x115: {  	p2 =	slt.s32 s1, $0x1F  }
0x116: {  	s1 =	simm.s32 @!p2 $0x1F  }
0x117: {  	s1 =	sadd.s32 $0x1, s1  }
0x118: {  	s3 =	sshll.u32 s1, $0x8  }
0x119: {  	s2 =	sshra.s32 s3, $0x2  }
0x11a: {  	v9 =	vld [tilespmem:s2+$0xFFFFFFF0]  }
0x11b: {  	s29 =	sxor.u32 $0x80000000, s26;
	v7 =	vsub.s32 v6, v7  }
0x11c: {  	vm1 =	vgt.s32 v6, $0x7;
	vm2 =	vge.s32 v7, v8;
	v58 =	vmov s29  }
0x11d: {  	vm1 =	vmor vm1, vm2;
	vm2 =	vne.s32 v58, v1  }
0x11e: {  	vm1 =	vmor vm2, vm1  }
0x11f: {  	v60 =	vsel vm1, $0x1, v0;
	v59 =	vxor.u32 $0x80000000, v9  }
0x120: {  	v61 =	vor.u32 $0x80000000, v60;
	(xrf0) =	vmax.scan.msk.u32 $0xffff, v59  }
0x121: {  	(xrf0) =	vmin.scan.msk.u32 $0xffff, v61;
	_ =	sdelay $0x4  }
0x122: {  	v62, _, _ =	vpop (xrf0)  }
0x123: {  	(v2sf) =	vpush v62, $0xF;
	v63, _, _ =	vpop (xrf0)  }
0x124: {  	(v2sf) =	vpush v63, $0xF;
	_ =	sdelay $0xd  }
0x125: {  	s3 =	spop (v2sf)  }
0x126: {  	p2 =	sgt.u32 s3, s26;
	s30 =	spop (v2sf)  }
0x127: {  	s3 =	smov.u32 s28;
	s1 =	smov.u32 @p2 s24;
	p2 =	sgt.u32 s30, $0x80000000  }
0x128: {  	p5 =	sge.s32 s29, s0;
	p4 =	slt.s32 s29, s0;
	s3 =	smov.u32 @p2 s1  }
0x129: {  	p2 =	por !p5, !p2;
	s28 =	smov.u32 @p4 s3  }
0x12a: {  	p2 =	por !p2, !p2;
	p6 =	sgt.s32 s28, $0x1F  }
0x12b: {  	p2 =	por p6, p2  }
.Ltmp8:
0x12c: {  	_ = 	snop;
	(pc) =	sbr.rel @!p2 .LBB2_10-.Ltmp8, $1  }
0x12d: {  	_ =	sdelay $0x3  }
0x12e: {  	[spmem:s11] =	stream.linear.scatter [tilespmem:s23], [sflag:$0x2], $0x80, $0x38;
	[tilespmem:$0x4510] =	vst v63  }
.Ltmp9:
0x12f: {  	_ =	swait.ge [sflag:s19], $0x80;
	(pc) =	sbr.rel @p1 .LBB2_15-.Ltmp9, $3  }
0x130: {  	[sflag:s19] =	ssyncset.done $0x0  }
0x131: {  	[sflag:s19] =	ssyncadd.s32 $0xFFFFFF80  }
0x132: {  	[bflag:$0x0] =	sbarrier.arrive $0xFFFF;
	_ =	sdelay $0x1  }
0x133: {  	s0 =	rddreg [dreg:$0x6];
	s1 =	simm.s32 $0x1B00  }
0x134: {  	[tilespmem:s1], [sflag:$0x2] =	stream.linear.gather [spmem:s0], $0x800, $0x38;
	[tilespmem:$0x4510] =	vst v63  }
0x135: {  	_ =	swait.ge [sflag:s19], $0x800  }
0x136: {  	[sflag:s19] =	ssyncset.done $0x0  }
0x137: {  	[sflag:s19] =	ssyncadd.s32 $0xFFFFF800  }
0x138: {  	v11 =	vld [tilespmem:$0x1B00]  }
0x139: {  	v9 =	vld [tilespmem:$0x1B80]  }
0x13a: {  	v10 =	vld [tilespmem:$0x1C00]  }
0x13b: {  	v13 =	vld [tilespmem:$0x1C80]  }
0x13c: {  	v14 =	vld [tilespmem:$0x1D00]  }
0x13d: {  	v16 =	vld [tilespmem:$0x1D80]  }
0x13e: {  	v18 =	vld [tilespmem:$0x1E00]  }
0x13f: {  	v19 =	vld [tilespmem:$0x1E80]  }
0x140: {  	v21 =	vld [tilespmem:$0x1F00]  }
0x141: {  	v23 =	vld [tilespmem:$0x1F80]  }
0x142: {  	v24 =	vld [tilespmem:$0x2000]  }
0x143: {  	v47 =	vld [tilespmem:$0x2080]  }
0x144: {  	v49 =	vld [tilespmem:$0x2100]  }
0x145: {  	v3 =	vld [tilespmem:$0x2180]  }
0x146: {  	v25 =	vld [tilespmem:$0x1B10]  }
0x147: {  	v26 =	vld [tilespmem:$0x1B90]  }
0x148: {  	v27 =	vld [tilespmem:$0x1C10]  }
0x149: {  	v28 =	vld [tilespmem:$0x1C90]  }
0x14a: {  	v29 =	vld [tilespmem:$0x1D10]  }
0x14b: {  	v30 =	vld [tilespmem:$0x1D90]  }
0x14c: {  	v31 =	vld [tilespmem:$0x1E10]  }
0x14d: {  	v32 =	vld [tilespmem:$0x1E90]  }
0x14e: {  	v33 =	vld [tilespmem:$0x1F10]  }
0x14f: {  	v34 =	vld [tilespmem:$0x1F90]  }
0x150: {  	v35 =	vld [tilespmem:$0x2010]  }
0x151: {  	v36 =	vld [tilespmem:$0x2090]  }
0x152: {  	v37 =	vld [tilespmem:$0x2110]  }
0x153: {  	v38 =	vld [tilespmem:$0x2190]  }
0x154: {  	v39 =	vld [tilespmem:$0x2210]  }
0x155: {  	v40 =	vld [tilespmem:$0x2290]  }
0x156: {  	v41 =	vld [tilespmem:$0x1B20]  }
0x157: {  	v42 =	vld [tilespmem:$0x1BA0]  }
0x158: {  	v43 =	vld [tilespmem:$0x1C20]  }
0x159: {  	v44 =	vld [tilespmem:$0x1CA0]  }
0x15a: {  	v46 =	vld [tilespmem:$0x1D20]  }
0x15b: {  	v50 =	vld [tilespmem:$0x1DA0]  }
0x15c: {  	v54 =	vld [tilespmem:$0x1B30]  }
0x15d: {  	[tilespmem:$0x1FE20] =	vst v3;
	v3 =	vld [tilespmem:$0x2200]  }
0x15e: {  	v55 =	vld [tilespmem:$0x1BB0]  }
0x15f: {  	v56 =	vld [tilespmem:$0x1C30]  }
0x160: {  	v51 =	vld [tilespmem:$0x2240]  }
0x161: {  	v57 =	vld [tilespmem:$0x1CB0]  }
0x162: {  	[tilespmem:$0x1FE30] =	vst v3;
	v3 =	vld [tilespmem:$0x2280]  }
0x163: {  	v58 =	vld [tilespmem:$0x1D30]  }
0x164: {  	v59 =	vld [tilespmem:$0x1DB0]  }
0x165: {  	[tilespmem:$0x1FF50] =	vst v51;
	v51 =	vld [tilespmem:$0x22C0]  }
0x166: {  	v60 =	vld [tilespmem:$0x1E30]  }
0x167: {  	[tilespmem:$0x1FE40] =	vst v3;
	v3 =	vld [tilespmem:$0x1E20]  }
0x168: {  	v61 =	vld [tilespmem:$0x1EB0]  }
0x169: {  	v62 =	vld [tilespmem:$0x1F30]  }
0x16a: {  	[tilespmem:$0x1FF70] =	vst v51;
	v51 =	vld [tilespmem:$0x1B50]  }
0x16b: {  	v63 =	vld [tilespmem:$0x1FB0]  }
0x16c: {  	[tilespmem:$0x1FE50] =	vst v3;
	v3 =	vld [tilespmem:$0x1EA0]  }
0x16d: {  	v4 =	vld [tilespmem:$0x1B40]  }
0x16e: {  	v5 =	vld [tilespmem:$0x1C40]  }
0x16f: {  	[tilespmem:$0x1FF60] =	vst v51;
	v51 =	vld [tilespmem:$0x1C50]  }
0x170: {  	v6 =	vld [tilespmem:$0x1CC0]  }
0x171: {  	[tilespmem:$0x1FE60] =	vst v3;
	v3 =	vld [tilespmem:$0x1F20]  }
0x172: {  	v7 =	vld [tilespmem:$0x1D40]  }
0x173: {  	v8 =	vld [tilespmem:$0x1DC0]  }
0x174: {  	[tilespmem:$0x1FF80] =	vst v51;
	v51 =	vld [tilespmem:$0x1CD0]  }
0x175: {  	v12 =	vld [tilespmem:$0x1E40]  }
0x176: {  	[tilespmem:$0x1FE70] =	vst v3;
	v3 =	vld [tilespmem:$0x1FA0]  }
0x177: {  	v15 =	vld [tilespmem:$0x1EC0]  }
0x178: {  	v17 =	vld [tilespmem:$0x1F40]  }
0x179: {  	[tilespmem:$0x1FF90] =	vst v51;
	v51 =	vld [tilespmem:$0x1D50]  }
0x17a: {  	v20 =	vld [tilespmem:$0x1FC0]  }
0x17b: {  	[tilespmem:$0x1FE80] =	vst v3;
	v3 =	vld [tilespmem:$0x2020]  }
0x17c: {  	v22 =	vld [tilespmem:$0x2040]  }
0x17d: {  	v45 =	vld [tilespmem:$0x20C0]  }
0x17e: {  	[tilespmem:$0x1FFA0] =	vst v51;
	v51 =	vld [tilespmem:$0x1DD0]  }
0x17f: {  	v48 =	vld [tilespmem:$0x2140]  }
0x180: {  	[tilespmem:$0x1FE90] =	vst v3;
	v3 =	vld [tilespmem:$0x20A0]  }
0x181: {  	v52 =	vld [tilespmem:$0x21C0]  }
0x182: {  	v53 =	vld [tilespmem:$0x1BD0]  }
0x183: {  	v9 =	vadd.s32 v11, v9;
	[tilespmem:$0x1FFB0] =	vst v51;
	v51 =	vld [tilespmem:$0x1E50]  }
0x184: {  	v11 =	vld [tilespmem:$0x1ED0];
	v9 =	vadd.s32 v9, v10  }
0x185: {  	v9 =	vadd.s32 v9, v13;
	[tilespmem:$0x1FEA0] =	vst v3;
	v3 =	vld [tilespmem:$0x2120]  }
0x186: {  	v13 =	vld [tilespmem:$0x20D0];
	v9 =	vadd.s32 v9, v14  }
0x187: {  	v9 =	vadd.s32 v9, v16;
	v16 =	vld [tilespmem:$0x2150]  }
0x188: {  	[tilespmem:$0x1FFC0] =	vst v51;
	v51 =	vadd.s32 v25, v26;
	v25 =	vld [tilespmem:$0x1F50]  }
0x189: {  	v26 =	vld [tilespmem:$0x1FD0]  }
0x18a: {  	[tilespmem:$0x1FEC0] =	vst v3;
	v3 =	vld [tilespmem:$0x21A0]  }
0x18b: {  	v10 =	vadd.s32 v51, v27;
	v27 =	vld [tilespmem:$0x2050]  }
0x18c: {  	v51 =	vadd.s32 v41, v42;
	v42 =	vld [tilespmem:$0x1B70]  }
0x18d: {  	v10 =	vadd.s32 v10, v28;
	v28 =	vld [tilespmem:$0x1CE0]  }
0x18e: {  	v10 =	vadd.s32 v10, v29;
	v29 =	vld [tilespmem:$0x1D60]  }
0x18f: {  	v9 =	vadd.s32 v9, v18;
	v10 =	vadd.s32 v10, v30;
	[tilespmem:$0x1FEE0] =	vst v3;
	v3 =	vld [tilespmem:$0x2220]  }
0x190: {  	v9 =	vadd.s32 v9, v19;
	v30 =	vadd.s32 v10, v31;
	v10 =	vld [tilespmem:$0x21D0]  }
0x191: {  	v31 =	vadd.s32 v9, v21;
	v9 =	vld [tilespmem:$0x2250]  }
0x192: {  	v21 =	vld [tilespmem:$0x1B60]  }
0x193: {  	v18 =	vadd.s32 v31, v23;
	v23 =	vld [tilespmem:$0x1BE0]  }
0x194: {  	[tilespmem:$0x1FF00] =	vst v3;
	v3 =	vld [tilespmem:$0x22A0]  }
0x195: {  	v55 =	vadd.s32 v54, v55;
	v31 =	vld [tilespmem:$0x1DE0]  }
0x196: {  	v14 =	vadd.s32 v30, v32;
	v32 =	vadd.s32 v55, v56;
	v55 =	vld [tilespmem:$0x1CF0]  }
0x197: {  	v33 =	vadd.s32 v14, v33;
	v14 =	vld [tilespmem:$0x22D0]  }
0x198: {  	v18 =	vadd.s32 v18, v24;
	v24 =	vld [tilespmem:$0x1C60]  }
0x199: {  	[tilespmem:$0x1FF20] =	vst v3;
	v3 =	vld [tilespmem:$0x2030]  }
0x19a: {  	v32 =	vadd.s32 v32, v57;
	v57 =	vld [tilespmem:$0x1FF50]  }
0x19b: {  	v18 =	vadd.s32 v18, v47;
	v47 =	vld [tilespmem:$0x1FE30]  }
0x19c: {  	v19 =	vadd.s32 v33, v34;
	v33 =	vld [tilespmem:$0x1E60]  }
0x19d: {  	v30 =	vadd.s32 v51, v43;
	v32 =	vadd.s32 v32, v58;
	v58 =	vld [tilespmem:$0x1FE50]  }
0x19e: {  	v30 =	vadd.s32 v30, v44;
	[tilespmem:$0x1FEB0] =	vst v3;
	v3 =	vld [tilespmem:$0x20B0]  }
0x19f: {  	v30 =	vadd.s32 v30, v46;
	v46 =	vld [tilespmem:$0x1BF0]  }
0x1a0: {  	v18 =	vadd.s32 v18, v49;
	v49 =	vld [tilespmem:$0x1FE40]  }
0x1a1: {  	v32 =	vadd.s32 v32, v59;
	v59 =	vld [tilespmem:$0x1FE60]  }
0x1a2: {  	v30 =	vadd.s32 v30, v50;
	v50 =	vld [tilespmem:$0x1C70]  }
0x1a3: {  	v19 =	vadd.s32 v19, v35;
	[tilespmem:$0x1FED0] =	vst v3;
	v3 =	vld [tilespmem:$0x2130]  }
0x1a4: {  	v19 =	vadd.s32 v19, v36;
	v36 =	vld [tilespmem:$0x1FE20]  }
0x1a5: {  	v32 =	vadd.s32 v32, v60;
	v60 =	vld [tilespmem:$0x1FE70]  }
0x1a6: {  	v19 =	vadd.s32 v19, v37;
	v37 =	vld [tilespmem:$0x1FE90]  }
0x1a7: {  	v32 =	vadd.s32 v32, v61;
	v61 =	vld [tilespmem:$0x1FF80]  }
0x1a8: {  	[tilespmem:$0x1FEF0] =	vst v3;
	v3 =	vld [tilespmem:$0x21B0]  }
0x1a9: {  	v19 =	vadd.s32 v19, v38;
	v38 =	vld [tilespmem:$0x1FEA0]  }
0x1aa: {  	v32 =	vadd.s32 v32, v62;
	v62 =	vld [tilespmem:$0x1DF0]  }
0x1ab: {  	v30 =	vadd.s32 v30, v58;
	v58 =	vld [tilespmem:$0x1FF60]  }
0x1ac: {  	v18 =	vadd.s32 v18, v36;
	v36 =	vld [tilespmem:$0x1FE80]  }
0x1ad: {  	[tilespmem:$0x1FF10] =	vst v3;
	v3 =	vld [tilespmem:$0x2230]  }
0x1ae: {  	v19 =	vadd.s32 v19, v39;
	v32 =	vadd.s32 v32, v63;
	v63 =	vld [tilespmem:$0x1FF90]  }
0x1af: {  	v19 =	vadd.s32 v19, v40;
	v40 =	vld [tilespmem:$0x1FEC0]  }
0x1b0: {  	v30 =	vadd.s32 v30, v59;
	v59 =	vld [tilespmem:$0x1D70]  }
0x1b1: {  	v30 =	vadd.s32 v30, v60;
	v43 =	vld [tilespmem:$0x1FEE0]  }
0x1b2: {  	v30 =	vadd.s32 v30, v36;
	[tilespmem:$0x1FF30] =	vst v3;
	v3 =	vld [tilespmem:$0x22B0]  }
0x1b3: {  	v60 =	vld [tilespmem:$0x1FF70];
	v30 =	vadd.s32 v30, v37  }
0x1b4: {  	v18 =	vadd.s32 v18, v47;
	v47 =	vld [tilespmem:$0x1FF00];
	v30 =	vadd.s32 v30, v38  }
0x1b5: {  	v37 =	vadd.s32 v58, v53;
	v53 =	vld [tilespmem:$0x21F0];
	v30 =	vadd.s32 v30, v40  }
0x1b6: {  	v30 =	vadd.s32 v30, v43;
	v43 =	vld [tilespmem:$0x1EF0]  }
0x1b7: {  	[tilespmem:$0x1FF40] =	vst v3;
	v3 =	vld [tilespmem:$0x1BC0]  }
0x1b8: {  	v51 =	vld [tilespmem:$0x1FF20]  }
0x1b9: {  	v39 =	vld [tilespmem:$0x1FEB0]  }
0x1ba: {  	v41 =	vld [tilespmem:$0x1FED0]  }
0x1bb: {  	v44 =	vld [tilespmem:$0x1FEF0]  }
0x1bc: {  	v18 =	vadd.s32 v18, v49;
	v49 =	vld [tilespmem:$0x1FF10];
	v3 =	vadd.s32 v4, v3  }
0x1bd: {  	v54 =	vld [tilespmem:$0x1FF30];
	v3 =	vadd.s32 v3, v5  }
0x1be: {  	v30 =	vadd.s32 v30, v47;
	v47 =	vld [tilespmem:$0x1FF0];
	v32 =	vadd.s32 v32, v39;
	v3 =	vadd.s32 v3, v6  }
0x1bf: {  	v32 =	vadd.s32 v32, v41;
	v41 =	vld [tilespmem:$0x1E70];
	v3 =	vadd.s32 v3, v7  }
0x1c0: {  	v32 =	vadd.s32 v32, v44;
	v44 =	vld [tilespmem:$0x1FFB0];
	v3 =	vadd.s32 v3, v8  }
0x1c1: {  	v32 =	vadd.s32 v32, v49;
	v56 =	vld [tilespmem:$0x1FF40];
	v3 =	vadd.s32 v3, v12  }
0x1c2: {  	v32 =	vadd.s32 v32, v54;
	v54 =	vld [tilespmem:$0x2270];
	v3 =	vadd.s32 v3, v15  }
0x1c3: {  	v21 =	vadd.s32 v21, v23;
	v4 =	vld [tilespmem:$0x1EE0];
	v3 =	vadd.s32 v3, v17  }
0x1c4: {  	v21 =	vadd.s32 v21, v24;
	v5 =	vld [tilespmem:$0x1F60];
	v3 =	vadd.s32 v3, v20  }
0x1c5: {  	v21 =	vadd.s32 v21, v28;
	v3 =	vadd.s32 v3, v22;
	v22 =	vadd.s32 v42, v46;
	v42 =	vld [tilespmem:$0x1FFA0]  }
0x1c6: {  	v21 =	vadd.s32 v21, v29;
	v6 =	vld [tilespmem:$0x1FE0]  }
0x1c7: {  	v21 =	vadd.s32 v21, v31;
	v37 =	vadd.s32 v37, v61;
	v46 =	vld [tilespmem:$0x1FFC0]  }
0x1c8: {  	v21 =	vadd.s32 v21, v33;
	v37 =	vadd.s32 v37, v63;
	v7 =	vld [tilespmem:$0x2060]  }
0x1c9: {  	v30 =	vadd.s32 v30, v51;
	v32 =	vadd.s32 v32, v56;
	v8 =	vld [tilespmem:$0x20E0];
	v4 =	vadd.s32 v21, v4  }
0x1ca: {  	v12 =	vld [tilespmem:$0x2160];
	v4 =	vadd.s32 v4, v5;
	v22 =	vadd.s32 v22, v50;
	v34 =	vadd.s32 v37, v42  }
0x1cb: {  	v3 =	vadd.s32 v3, v45;
	v45 =	vld [tilespmem:$0x1F70];
	v22 =	vadd.s32 v22, v55;
	v34 =	vadd.s32 v34, v44  }
0x1cc: {  	v15 =	vld [tilespmem:$0x21E0];
	v4 =	vadd.s32 v4, v6;
	v22 =	vadd.s32 v22, v59;
	v34 =	vadd.s32 v34, v46  }
0x1cd: {  	v3 =	vadd.s32 v3, v48;
	v48 =	vld [tilespmem:$0x2070];
	v22 =	vadd.s32 v22, v62;
	v11 =	vadd.s32 v34, v11  }
0x1ce: {  	v4 =	vadd.s32 v4, v7;
	v50 =	vld [tilespmem:$0x20F0];
	v49 =	vadd.s32 v22, v41;
	v11 =	vadd.s32 v11, v25  }
0x1cf: {  	v3 =	vadd.s32 v3, v52;
	v52 =	vld [tilespmem:$0x2170];
	v51 =	vadd.s32 v49, v43;
	v11 =	vadd.s32 v11, v26  }
0x1d0: {  	v17 =	vld [tilespmem:$0x2260];
	v4 =	vadd.s32 v4, v8;
	v5 =	vadd.s32 v51, v45;
	v11 =	vadd.s32 v11, v27  }
0x1d1: {  	[tilespmem:$0x2310] =	vst v19;
	v20 =	vld [tilespmem:$0x22E0];
	v4 =	vadd.s32 v4, v12;
	v5 =	vadd.s32 v5, v47;
	v11 =	vadd.s32 v11, v13  }
0x1d2: {  	[tilespmem:$0x2300] =	vst v18;
	v55 =	vld [tilespmem:$0x22F0];
	v4 =	vadd.s32 v4, v15;
	v5 =	vadd.s32 v5, v48;
	v11 =	vadd.s32 v11, v16  }
0x1d3: {  	[tilespmem:$0x2320] =	vst v30;
	v3 =	vadd.s32 v3, v57;
	v5 =	vadd.s32 v5, v50;
	v10 =	vadd.s32 v11, v10  }
0x1d4: {  	[tilespmem:$0x2330] =	vst v32;
	v3 =	vadd.s32 v3, v60;
	v5 =	vadd.s32 v5, v52;
	v9 =	vadd.s32 v10, v9  }
0x1d5: {  	v4 =	vadd.s32 v4, v17;
	[tilespmem:$0x2340] =	vst v3;
	v5 =	vadd.s32 v5, v53;
	v3 =	vadd.s32 v9, v14  }
0x1d6: {  	v56 =	vadd.s32 v5, v54;
	[tilespmem:$0x2350] =	vst v3;
	v3 =	vadd.s32 v4, v20  }
0x1d7: {  	[tilespmem:$0x2360] =	vst v3;
	v3 =	vadd.s32 v56, v55  }
0x1d8: {  	[tilespmem:$0x2370] =	vst v3  }
0x1d9: {  	v3 =	vld [tilespmem:s10+$0x2300];
	_ =	sdelay $0x4  }
0x1da: {  	v57 =	vadd.s32 $0xFFFFFFFF, v3  }
0x1db: {  	v60 =	vld [tilespmem:$0x1FFD0];
	vm1 =	vgt.s32 v57, $0x0  }
0x1dc: {  	v4 =	vnsel vm1, $0x0, v57  }
0x1dd: {  	v61 =	vld [tilespmem:$0x1FFE0];
	v58 =	vshll.u32 v4, $0x2  }
0x1de: {  	v59 =	vand.u32 $0x7, v4;
	v5 =	vand.u32 $0xFFFFFFE0, v58  }
0x1df: {  	v62 =	vld [tilespmem:$0x1FFF0];
	v5 =	vor.u32 v59, v5  }
0x1e0: {  	v6 =	vperm.xlane v5, v60;
	_ =	sdelay $0x1  }
0x1e1: {  	v6 =	vadd.s32 v61, v6;
	_ =	sdelay $0x1  }
0x1e2: {  	v5 =	vperm.xlane v5, v62;
	_ =	sdelay $0x1  }
0x1e3: {  	s24 =	rddreg [dreg:$0x2];
	[tilespmem:$0x2400] =	vst v4;
	v63 =	vadd.s32 v61, v5  }
0x1e4: {  	[tilespmem:s25], [sflag:$0x1] =	stream.indirect_vreg.gather [hbm4b:s24+s5], $0x80, v6, vm0, $0xb8;
	[tilespmem:$0x4510] =	vst v63  }
0x1e5: {  	s26 =	simm.s32 $0x2C80  }
0x1e6: {  	[tilespmem:s26], [sflag:$0x1] =	stream.indirect_vreg.gather [hbm4b:s12+s5], $0x80, v6, vm0, $0xb8;
	[tilespmem:$0x4510] =	vst v63  }
0x1e7: {  	s28 =	simm.s32 $0x3480  }
0x1e8: {  	[tilespmem:s28], [sflag:$0x1] =	stream.indirect_vreg.gather [hbm4b:s24+s5], $0x80, v63, vm0, $0xb8;
	[tilespmem:$0x4510] =	vst v63  }
0x1e9: {  	s29 =	simm.s32 $0x3C80  }
0x1ea: {  	[tilespmem:s29], [sflag:$0x1] =	stream.indirect_vreg.gather [hbm4b:s12+s5], $0x80, v63, vm0, $0xb8;
	[tilespmem:$0x4510] =	vst v63  }
0x1eb: {  	s30 =	simm.s32 $0x2380;
	[tilespmem:$0x2380] =	vst v3  }
0x1ec: {  	[hbm4b:s13+s5] =	stream.linear.scatter [tilespmem:s30], [sflag:$0x2], $0x10, $0x38;
	[tilespmem:$0x4510] =	vst v63  }
0x1ed: {  	_ =	swait.ge [sflag:s19], $0x10  }
0x1ee: {  	[sflag:s19] =	ssyncset.done $0x0  }
0x1ef: {  	[sflag:s19] =	ssyncadd.s32 $0xFFFFFFF0  }
0x1f0: {  	_ =	swait.ge [sflag:s17], $0x2000  }
0x1f1: {  	[sflag:s17] =	ssyncset.done $0x0  }
.Ltmp10:
0x1f2: {  	[sflag:s17] =	ssyncadd.s32 $0xFFFFE000;
	(pc) =	sbr.rel .LBB2_15-.Ltmp10, $4  }
0x1f3: {  	[hbm4b:s14+s5] =	stream.linear.scatter [tilespmem:s25], [sflag:$0x2], $0x2000, $0x38;
	[tilespmem:$0x4510] =	vst v63  }
0x1f4: {  	_ =	swait.ge [sflag:s19], $0x2000  }
0x1f5: {  	[sflag:s19] =	ssyncset.done $0x0  }
0x1f6: {  	[sflag:s19] =	ssyncadd.s32 $0xFFFFE000  }
.LBB2_16:
0x1f7: {  	_ =	sfence.sel $0x180000  }
0x1f8: {  	[bflag:$0x0] =	sbarrier.arrive $0xFFFF  }
0x1f9: {  	_ =	strace $0x90000047  }
0x1fa: {  	[bflag:$0x2] =	sbarrier.arrive $0xFFFF  }
0x1fb: {  	p0 =	sne.s32 s4, $0x0;
	s0 =	rddreg [dreg:$0x7]  }
0x1fc: {  	s0 =	sadd.s32 @!p0 $0x100000, s0  }
0x1fd: {  	[sflag:s0] =	ssyncadd.tile.s32 @!p0 $0x1;
	_ =	shalt  }
.Lfunc_end2:
_tile_overlayer_lowered:
.L_overlay_start_2:
0x1fe: {  	(tag) =	ssettag $0x2  }
0x1ff: {  	s0 =	rddreg [dreg:$0x0];
	s2 =	stileid.u32  }
0x200: {  	s1 =	rddreg [dreg:$0x1];
	p0 =	sne.s32 s2, $0x0  }
0x201: {  	s3 =	rddreg [dreg:$0x2];
	[bflag:$0x3] =	sbarrier.arrive $0xFFFF;
	s2 =	simm.s32 @!p0 $0x1C02  }
0x202: {  	[timem:s3], [sflag:s2] =	dma.local @!p0 [hbm:s0], s1  }
0x203: {  	s0 =	simm.s32 @!p0 $0x2  }
0x204: {  	_ =	swait.ge @!p0 [sflag:s0], s1  }
0x205: {  	s1 =	ssub.s32 @!p0 $0x0, s1;
	[sflag:s0] =	ssyncset.done @!p0 $0x0  }
0x206: {  	[sflag:s0] =	ssyncadd.s32 @!p0 s1  }
0x207: {  	[bflag:$0x3] =	sbarrier.arrive $0xFFFF  }
0x208: {  	_ =	shalt  }

</sc_bundles>
